<compile_context>
chip_gen: v7x
topology: tpu7x:2x2x1
jax: 0.10.2.dev20260603
libtpu: 0.0.44.dev20260713+nightly
codegen_flags: <defaults>
</compile_context>

<pallas_src>
import jax
import jax.numpy as jnp
from jax import lax
from jax.experimental import pallas as pl
from jax.experimental.pallas import tpu as pltpu
from jax.experimental.pallas import tpu_sc as plsc

MARGIN = 1.0
N = 4096
NPROP = 128
L = 16
NC, NS = 2, 16
NW = NC * NS
PPW = NPROP // NW
NB = 2 * PPW
NCHUNK = N // L
CAP = N + 3 * L
NEG_PAD = -1.0e30
NBLK = 16
BLK = N // NBLK


def _sc_body(packed_hbm, out_hbm, packed_v, part_v, off_v, big_v, sem):
    wid = lax.axis_index("c") * NS + lax.axis_index("s")

    copies = []
    for j in range(NBLK):
        blk = (wid + j) % NBLK
        sl = pl.ds(blk * BLK, BLK)
        copies.append(pltpu.async_copy(packed_hbm.at[sl], packed_v.at[sl],
                                       sem))
    for c in copies:
        c.wait()

    off_v[pl.ds(0, L)] = jnp.zeros((L,), jnp.int32)
    off_v[pl.ds(L, L)] = jnp.zeros((L,), jnp.int32)

    lane = lax.broadcasted_iota(jnp.int32, (L,), 0)

    @plsc.parallel_loop(0, NCHUNK, carry=jnp.zeros((L,), jnp.int32),
                        unroll=1)
    def offs_vec(k, offs_vec):
        w = packed_v[pl.ds(k * L, L)]
        key = w & 255
        mine = (key >> 3) == wid
        t_idx = key & (NB - 1)
        s = plsc.bitcast(w & ~255, jnp.float32)
        rank, _ = plsc.scan_count(key, mask=mine)
        base = lax.gather(
            offs_vec, t_idx[:, None],
            lax.GatherDimensionNumbers(
                offset_dims=(), collapsed_slice_dims=(0,),
                start_index_map=(0,)),
            slice_sizes=(1,),
            mode=lax.GatherScatterMode.PROMISE_IN_BOUNDS)
        addr = t_idx * CAP + base + (rank - 1)
        plsc.store_scatter(big_v, [addr], s, mask=mine)
        delta = jnp.zeros((L,), jnp.int32)
        for b in range(NB):
            cb = plsc.all_reduce_population_count(mine & (t_idx == b))
            delta = jnp.where(lane == b, delta + cb, delta)
        return offs_vec + delta

    off_v[pl.ds(0, L)] = offs_vec

    pad_vec = jnp.full((L,), NEG_PAD, jnp.float32)

    def t_body(t, carry):
        acc0, pairs = carry
        offs = off_v[pl.ds(2 * t, L)]
        nneg, npos = offs[0], offs[1]
        negbase = (2 * t) * CAP
        posbase = negbase + CAP
        for j in range(3):
            big_v[pl.ds(negbase + nneg + j * L, L)] = pad_vec
        pairs = pairs + npos * nneg
        nch = (nneg + (L - 1)) // L

        @plsc.parallel_loop(0, npos, carry=acc0)
        def acc(i, a):
            coef = MARGIN - big_v[pl.ds(posbase + i, L)][0]
            for j in range(3):
                nv = big_v[pl.ds(negbase + j * L, L)]
                a = a + jnp.maximum(coef + nv, 0.0)

            def neg_body(c, aa):
                nv = big_v[pl.ds(negbase + c * L, L)]
                return aa + jnp.maximum(coef + nv, 0.0)

            return lax.fori_loop(3, nch, neg_body, a)

        return acc, pairs

    acc, pairs = lax.fori_loop(
        0, PPW, t_body, (jnp.zeros((L,), jnp.float32), jnp.int32(0)))

    loss = jnp.sum(acc)
    part = jnp.where(lane == 0, loss,
                     jnp.where(lane == 1, pairs.astype(jnp.float32), 0.0))
    part_v[...] = part
    pltpu.sync_copy(part_v, out_hbm.at[wid])


@jax.jit
def _pairwise_loss_sc(packed):
    mesh = plsc.VectorSubcoreMesh(core_axis_name="c", subcore_axis_name="s")
    scratch = [
        pltpu.VMEM((N,), jnp.int32),
        pltpu.VMEM((L,), jnp.float32),
        pltpu.VMEM((2 * L,), jnp.int32),
        pltpu.VMEM((NB * CAP,), jnp.float32),
        pltpu.SemaphoreType.DMA,
    ]
    parts = pl.kernel(
        _sc_body,
        out_type=jax.ShapeDtypeStruct((NW, L), jnp.float32),
        mesh=mesh,
        scratch_types=scratch,
        compiler_params=pltpu.CompilerParams(needs_layout_passes=False),
    )(packed)
    loss = parts[:, 0].sum()
    pairs = parts[:, 1].sum()
    return jnp.where(pairs == 0.0, 0.0, loss / jnp.maximum(pairs, 1.0))


def kernel(scores, labels, property_ids):
    scores = scores.reshape(-1).astype(jnp.float32)
    labels = labels.reshape(-1).astype(jnp.int32)
    props = property_ids.reshape(-1).astype(jnp.int32)
    scores_i = lax.bitcast_convert_type(scores, jnp.int32)
    packed = (scores_i & ~255) | (props << 1) | labels
    return _pairwise_loss_sc(packed)

# --- scband reference (transcript-rebuilt; emitter-appended) ---
"""Pipeline reference for scband-pairwise-ranking-loss-23493471109250 (READ-ONLY COPY).

The authoritative reference and input builder live on the scoring server;
editing this copy changes nothing except your own understanding.
"""

import jax, jax.numpy as jnp
import numpy as np

MARGIN = 1.0
REDUCTION = 'mean'

def setup_inputs(seed: int = 0) -> dict:
    key = jax.random.key(seed)
    k1, k2, k3 = jax.random.split(key, 3)
    N = 4096
    scores = jax.random.normal(k1, (N,), dtype=jnp.float32)
    labels = jax.random.randint(k2, (N,), 0, 2, dtype=jnp.int32)
    property_ids = jax.random.randint(k3, (N,), 0, 128, dtype=jnp.int64)
    return {"scores": scores, "labels": labels, "property_ids": property_ids}

def reference(scores, labels, property_ids):
    # Vectorized but mathematically identical to the per-property loop:
    # sum over all (i, j) with property_ids[i] == property_ids[j],
    # labels[i] == 1, labels[j] == 0 of relu(margin - (s_i - s_j)),
    # then mean over the number of valid pairs.
    scores = scores.reshape(-1)
    labels = labels.reshape(-1)
    property_ids = property_ids.reshape(-1)
    same_prop = property_ids[:, None] == property_ids[None, :]
    pos_i = (labels == 1)[:, None]
    neg_j = (labels == 0)[None, :]
    pair_mask = same_prop & pos_i & neg_j
    diffs = scores[:, None] - scores[None, :]
    per_pair = jnp.maximum(0.0, MARGIN - diffs) * pair_mask.astype(scores.dtype)
    total_loss = per_pair.sum()
    num_pairs = pair_mask.sum()
    zero = jnp.asarray(0.0, dtype=scores.dtype)
    if REDUCTION == 'mean':
        out = jnp.where(num_pairs == 0, zero, total_loss / jnp.maximum(num_pairs, 1).astype(scores.dtype))
    else:
        out = jnp.where(num_pairs == 0, zero, total_loss)
    return out

if __name__ == "__main__":
    import jax
    _d = setup_inputs()
    print(jax.jit(kernel)(*tuple(_d.values())))

</pallas_src>

<mosaic_0001>
#map = affine_map<(d0, d1) -> (0)>
#map1 = affine_map<(d0, d1) -> (0, 0)>
module attributes {stable_mosaic.version = 14 : i64} {
  func.func @_sc_body(%arg0: i32, %arg1: i32, %arg2: memref<4096xi32, #tpu.memory_space<hbm>>, %arg3: memref<32x16xf32, #tpu.memory_space<hbm>>, %arg4: memref<4096xi32, #tpu.memory_space<vmem>>, %arg5: memref<16xf32, #tpu.memory_space<vmem>>, %arg6: memref<32xi32, #tpu.memory_space<vmem>>, %arg7: memref<33152xf32, #tpu.memory_space<vmem>>, %arg8: memref<!tpu.dma_semaphore, #tpu.memory_space<semaphore_mem>>) attributes {dimension_semantics = [#tpu.dimension_semantics<core_parallel>, #tpu.dimension_semantics<subcore_parallel>], iteration_bounds = array<i64: 2, 16>, scalar_prefetch = 0 : i64, scratch_operands = 5 : i64, tpu.core_type = #tpu.core_type<sc_vector_subcore>, window_params = [{transform_indices = #map}, {transform_indices = #map1}]} {
    %mul3A = arith.constant 16 : i32
    %mul3A_0 = arith.muli %arg0, %mul3A : i32
    %add3A = arith.addi %mul3A_0, %arg1 : i32
    %add3A_1 = arith.constant 0 : i32
    %add3A_2 = arith.addi %add3A, %add3A_1 : i32
    %jit3A = arith.constant 16 : i32
    %eq3A = arith.constant 0 : i32
    %eq3A_3 = arith.cmpi eq, %jit3A, %eq3A : i32
    %jit3A_4 = arith.constant 1 : i32
    %select_n3A = arith.select %eq3A_3, %jit3A_4, %jit3A : i32
    %rem3A = arith.remsi %add3A_2, %select_n3A : i32
    %ne3A = arith.constant 0 : i32
    %ne3A_5 = arith.cmpi ne, %rem3A, %ne3A : i32
    %lt3A = arith.constant 0 : i32
    %lt3A_6 = arith.cmpi slt, %rem3A, %lt3A : i32
    %lt3A_7 = arith.constant 0 : i32
    %lt3A_8 = arith.cmpi slt, %select_n3A, %lt3A_7 : i32
    %ne3A_9 = arith.xori %lt3A_6, %lt3A_8 : i1
    %and3A = arith.andi %ne3A_9, %ne3A_5 : i1
    %add3A_10 = arith.addi %rem3A, %select_n3A : i32
    %select_n3A_11 = arith.select %and3A, %add3A_10, %rem3A : i32
    %mul3A_12 = arith.constant 256 : i32
    %mul3A_13 = arith.muli %select_n3A_11, %mul3A_12 : i32
    %dma_start3A = tpu.memref_slice %arg4[%mul3A_13] : memref<4096xi32, #tpu.memory_space<vmem>> -> memref<256xi32, #tpu.memory_space<vmem>>
    %dma_start3A_14 = tpu.memref_slice %arg2[%mul3A_13] : memref<4096xi32, #tpu.memory_space<hbm>> -> memref<256xi32, #tpu.memory_space<hbm>>
    %dma_start3A_15 = tpu.memref_slice %arg4[%mul3A_13] : memref<4096xi32, #tpu.memory_space<vmem>> -> memref<256xi32, #tpu.memory_space<vmem>>
    %dma_start3A_16 = tpu.memref_slice %arg2[%mul3A_13] : memref<4096xi32, #tpu.memory_space<hbm>> -> memref<256xi32, #tpu.memory_space<hbm>>
    tpu.enqueue_dma source(%dma_start3A_16 : memref<256xi32, #tpu.memory_space<hbm>>) target(%dma_start3A_15 : memref<256xi32, #tpu.memory_space<vmem>>) target_semaphore(%arg8 : memref<!tpu.dma_semaphore, #tpu.memory_space<semaphore_mem>>)
    %add3A_17 = arith.constant 1 : i32
    %add3A_18 = arith.addi %add3A, %add3A_17 : i32
    %jit3A_19 = arith.constant 16 : i32
    %eq3A_20 = arith.constant 0 : i32
    %eq3A_21 = arith.cmpi eq, %jit3A_19, %eq3A_20 : i32
    %jit3A_22 = arith.constant 1 : i32
    %select_n3A_23 = arith.select %eq3A_21, %jit3A_22, %jit3A_19 : i32
    %rem3A_24 = arith.remsi %add3A_18, %select_n3A_23 : i32
    %ne3A_25 = arith.constant 0 : i32
    %ne3A_26 = arith.cmpi ne, %rem3A_24, %ne3A_25 : i32
    %lt3A_27 = arith.constant 0 : i32
    %lt3A_28 = arith.cmpi slt, %rem3A_24, %lt3A_27 : i32
    %lt3A_29 = arith.constant 0 : i32
    %lt3A_30 = arith.cmpi slt, %select_n3A_23, %lt3A_29 : i32
    %ne3A_31 = arith.xori %lt3A_28, %lt3A_30 : i1
    %and3A_32 = arith.andi %ne3A_31, %ne3A_26 : i1
    %add3A_33 = arith.addi %rem3A_24, %select_n3A_23 : i32
    %select_n3A_34 = arith.select %and3A_32, %add3A_33, %rem3A_24 : i32
    %mul3A_35 = arith.constant 256 : i32
    %mul3A_36 = arith.muli %select_n3A_34, %mul3A_35 : i32
    %dma_start3A_37 = tpu.memref_slice %arg4[%mul3A_36] : memref<4096xi32, #tpu.memory_space<vmem>> -> memref<256xi32, #tpu.memory_space<vmem>>
    %dma_start3A_38 = tpu.memref_slice %arg2[%mul3A_36] : memref<4096xi32, #tpu.memory_space<hbm>> -> memref<256xi32, #tpu.memory_space<hbm>>
    %dma_start3A_39 = tpu.memref_slice %arg4[%mul3A_36] : memref<4096xi32, #tpu.memory_space<vmem>> -> memref<256xi32, #tpu.memory_space<vmem>>
    %dma_start3A_40 = tpu.memref_slice %arg2[%mul3A_36] : memref<4096xi32, #tpu.memory_space<hbm>> -> memref<256xi32, #tpu.memory_space<hbm>>
    tpu.enqueue_dma source(%dma_start3A_40 : memref<256xi32, #tpu.memory_space<hbm>>) target(%dma_start3A_39 : memref<256xi32, #tpu.memory_space<vmem>>) target_semaphore(%arg8 : memref<!tpu.dma_semaphore, #tpu.memory_space<semaphore_mem>>)
    %add3A_41 = arith.constant 2 : i32
    %add3A_42 = arith.addi %add3A, %add3A_41 : i32
    %jit3A_43 = arith.constant 16 : i32
    %eq3A_44 = arith.constant 0 : i32
    %eq3A_45 = arith.cmpi eq, %jit3A_43, %eq3A_44 : i32
    %jit3A_46 = arith.constant 1 : i32
    %select_n3A_47 = arith.select %eq3A_45, %jit3A_46, %jit3A_43 : i32
    %rem3A_48 = arith.remsi %add3A_42, %select_n3A_47 : i32
    %ne3A_49 = arith.constant 0 : i32
    %ne3A_50 = arith.cmpi ne, %rem3A_48, %ne3A_49 : i32
    %lt3A_51 = arith.constant 0 : i32
    %lt3A_52 = arith.cmpi slt, %rem3A_48, %lt3A_51 : i32
    %lt3A_53 = arith.constant 0 : i32
    %lt3A_54 = arith.cmpi slt, %select_n3A_47, %lt3A_53 : i32
    %ne3A_55 = arith.xori %lt3A_52, %lt3A_54 : i1
    %and3A_56 = arith.andi %ne3A_55, %ne3A_50 : i1
    %add3A_57 = arith.addi %rem3A_48, %select_n3A_47 : i32
    %select_n3A_58 = arith.select %and3A_56, %add3A_57, %rem3A_48 : i32
    %mul3A_59 = arith.constant 256 : i32
    %mul3A_60 = arith.muli %select_n3A_58, %mul3A_59 : i32
    %dma_start3A_61 = tpu.memref_slice %arg4[%mul3A_60] : memref<4096xi32, #tpu.memory_space<vmem>> -> memref<256xi32, #tpu.memory_space<vmem>>
    %dma_start3A_62 = tpu.memref_slice %arg2[%mul3A_60] : memref<4096xi32, #tpu.memory_space<hbm>> -> memref<256xi32, #tpu.memory_space<hbm>>
    %dma_start3A_63 = tpu.memref_slice %arg4[%mul3A_60] : memref<4096xi32, #tpu.memory_space<vmem>> -> memref<256xi32, #tpu.memory_space<vmem>>
    %dma_start3A_64 = tpu.memref_slice %arg2[%mul3A_60] : memref<4096xi32, #tpu.memory_space<hbm>> -> memref<256xi32, #tpu.memory_space<hbm>>
    tpu.enqueue_dma source(%dma_start3A_64 : memref<256xi32, #tpu.memory_space<hbm>>) target(%dma_start3A_63 : memref<256xi32, #tpu.memory_space<vmem>>) target_semaphore(%arg8 : memref<!tpu.dma_semaphore, #tpu.memory_space<semaphore_mem>>)
    %add3A_65 = arith.constant 3 : i32
    %add3A_66 = arith.addi %add3A, %add3A_65 : i32
    %jit3A_67 = arith.constant 16 : i32
    %eq3A_68 = arith.constant 0 : i32
    %eq3A_69 = arith.cmpi eq, %jit3A_67, %eq3A_68 : i32
    %jit3A_70 = arith.constant 1 : i32
    %select_n3A_71 = arith.select %eq3A_69, %jit3A_70, %jit3A_67 : i32
    %rem3A_72 = arith.remsi %add3A_66, %select_n3A_71 : i32
    %ne3A_73 = arith.constant 0 : i32
    %ne3A_74 = arith.cmpi ne, %rem3A_72, %ne3A_73 : i32
    %lt3A_75 = arith.constant 0 : i32
    %lt3A_76 = arith.cmpi slt, %rem3A_72, %lt3A_75 : i32
    %lt3A_77 = arith.constant 0 : i32
    %lt3A_78 = arith.cmpi slt, %select_n3A_71, %lt3A_77 : i32
    %ne3A_79 = arith.xori %lt3A_76, %lt3A_78 : i1
    %and3A_80 = arith.andi %ne3A_79, %ne3A_74 : i1
    %add3A_81 = arith.addi %rem3A_72, %select_n3A_71 : i32
    %select_n3A_82 = arith.select %and3A_80, %add3A_81, %rem3A_72 : i32
    %mul3A_83 = arith.constant 256 : i32
    %mul3A_84 = arith.muli %select_n3A_82, %mul3A_83 : i32
    %dma_start3A_85 = tpu.memref_slice %arg4[%mul3A_84] : memref<4096xi32, #tpu.memory_space<vmem>> -> memref<256xi32, #tpu.memory_space<vmem>>
    %dma_start3A_86 = tpu.memref_slice %arg2[%mul3A_84] : memref<4096xi32, #tpu.memory_space<hbm>> -> memref<256xi32, #tpu.memory_space<hbm>>
    %dma_start3A_87 = tpu.memref_slice %arg4[%mul3A_84] : memref<4096xi32, #tpu.memory_space<vmem>> -> memref<256xi32, #tpu.memory_space<vmem>>
    %dma_start3A_88 = tpu.memref_slice %arg2[%mul3A_84] : memref<4096xi32, #tpu.memory_space<hbm>> -> memref<256xi32, #tpu.memory_space<hbm>>
    tpu.enqueue_dma source(%dma_start3A_88 : memref<256xi32, #tpu.memory_space<hbm>>) target(%dma_start3A_87 : memref<256xi32, #tpu.memory_space<vmem>>) target_semaphore(%arg8 : memref<!tpu.dma_semaphore, #tpu.memory_space<semaphore_mem>>)
    %add3A_89 = arith.constant 4 : i32
    %add3A_90 = arith.addi %add3A, %add3A_89 : i32
    %jit3A_91 = arith.constant 16 : i32
    %eq3A_92 = arith.constant 0 : i32
    %eq3A_93 = arith.cmpi eq, %jit3A_91, %eq3A_92 : i32
    %jit3A_94 = arith.constant 1 : i32
    %select_n3A_95 = arith.select %eq3A_93, %jit3A_94, %jit3A_91 : i32
    %rem3A_96 = arith.remsi %add3A_90, %select_n3A_95 : i32
    %ne3A_97 = arith.constant 0 : i32
    %ne3A_98 = arith.cmpi ne, %rem3A_96, %ne3A_97 : i32
    %lt3A_99 = arith.constant 0 : i32
    %lt3A_100 = arith.cmpi slt, %rem3A_96, %lt3A_99 : i32
    %lt3A_101 = arith.constant 0 : i32
    %lt3A_102 = arith.cmpi slt, %select_n3A_95, %lt3A_101 : i32
    %ne3A_103 = arith.xori %lt3A_100, %lt3A_102 : i1
    %and3A_104 = arith.andi %ne3A_103, %ne3A_98 : i1
    %add3A_105 = arith.addi %rem3A_96, %select_n3A_95 : i32
    %select_n3A_106 = arith.select %and3A_104, %add3A_105, %rem3A_96 : i32
    %mul3A_107 = arith.constant 256 : i32
    %mul3A_108 = arith.muli %select_n3A_106, %mul3A_107 : i32
    %dma_start3A_109 = tpu.memref_slice %arg4[%mul3A_108] : memref<4096xi32, #tpu.memory_space<vmem>> -> memref<256xi32, #tpu.memory_space<vmem>>
    %dma_start3A_110 = tpu.memref_slice %arg2[%mul3A_108] : memref<4096xi32, #tpu.memory_space<hbm>> -> memref<256xi32, #tpu.memory_space<hbm>>
    %dma_start3A_111 = tpu.memref_slice %arg4[%mul3A_108] : memref<4096xi32, #tpu.memory_space<vmem>> -> memref<256xi32, #tpu.memory_space<vmem>>
    %dma_start3A_112 = tpu.memref_slice %arg2[%mul3A_108] : memref<4096xi32, #tpu.memory_space<hbm>> -> memref<256xi32, #tpu.memory_space<hbm>>
    tpu.enqueue_dma source(%dma_start3A_112 : memref<256xi32, #tpu.memory_space<hbm>>) target(%dma_start3A_111 : memref<256xi32, #tpu.memory_space<vmem>>) target_semaphore(%arg8 : memref<!tpu.dma_semaphore, #tpu.memory_space<semaphore_mem>>)
    %add3A_113 = arith.constant 5 : i32
    %add3A_114 = arith.addi %add3A, %add3A_113 : i32
    %jit3A_115 = arith.constant 16 : i32
    %eq3A_116 = arith.constant 0 : i32
    %eq3A_117 = arith.cmpi eq, %jit3A_115, %eq3A_116 : i32
    %jit3A_118 = arith.constant 1 : i32
    %select_n3A_119 = arith.select %eq3A_117, %jit3A_118, %jit3A_115 : i32
    %rem3A_120 = arith.remsi %add3A_114, %select_n3A_119 : i32
    %ne3A_121 = arith.constant 0 : i32
    %ne3A_122 = arith.cmpi ne, %rem3A_120, %ne3A_121 : i32
    %lt3A_123 = arith.constant 0 : i32
    %lt3A_124 = arith.cmpi slt, %rem3A_120, %lt3A_123 : i32
    %lt3A_125 = arith.constant 0 : i32
    %lt3A_126 = arith.cmpi slt, %select_n3A_119, %lt3A_125 : i32
    %ne3A_127 = arith.xori %lt3A_124, %lt3A_126 : i1
    %and3A_128 = arith.andi %ne3A_127, %ne3A_122 : i1
    %add3A_129 = arith.addi %rem3A_120, %select_n3A_119 : i32
    %select_n3A_130 = arith.select %and3A_128, %add3A_129, %rem3A_120 : i32
    %mul3A_131 = arith.constant 256 : i32
    %mul3A_132 = arith.muli %select_n3A_130, %mul3A_131 : i32
    %dma_start3A_133 = tpu.memref_slice %arg4[%mul3A_132] : memref<4096xi32, #tpu.memory_space<vmem>> -> memref<256xi32, #tpu.memory_space<vmem>>
    %dma_start3A_134 = tpu.memref_slice %arg2[%mul3A_132] : memref<4096xi32, #tpu.memory_space<hbm>> -> memref<256xi32, #tpu.memory_space<hbm>>
    %dma_start3A_135 = tpu.memref_slice %arg4[%mul3A_132] : memref<4096xi32, #tpu.memory_space<vmem>> -> memref<256xi32, #tpu.memory_space<vmem>>
    %dma_start3A_136 = tpu.memref_slice %arg2[%mul3A_132] : memref<4096xi32, #tpu.memory_space<hbm>> -> memref<256xi32, #tpu.memory_space<hbm>>
    tpu.enqueue_dma source(%dma_start3A_136 : memref<256xi32, #tpu.memory_space<hbm>>) target(%dma_start3A_135 : memref<256xi32, #tpu.memory_space<vmem>>) target_semaphore(%arg8 : memref<!tpu.dma_semaphore, #tpu.memory_space<semaphore_mem>>)
    %add3A_137 = arith.constant 6 : i32
    %add3A_138 = arith.addi %add3A, %add3A_137 : i32
    %jit3A_139 = arith.constant 16 : i32
    %eq3A_140 = arith.constant 0 : i32
    %eq3A_141 = arith.cmpi eq, %jit3A_139, %eq3A_140 : i32
    %jit3A_142 = arith.constant 1 : i32
    %select_n3A_143 = arith.select %eq3A_141, %jit3A_142, %jit3A_139 : i32
    %rem3A_144 = arith.remsi %add3A_138, %select_n3A_143 : i32
    %ne3A_145 = arith.constant 0 : i32
    %ne3A_146 = arith.cmpi ne, %rem3A_144, %ne3A_145 : i32
    %lt3A_147 = arith.constant 0 : i32
    %lt3A_148 = arith.cmpi slt, %rem3A_144, %lt3A_147 : i32
    %lt3A_149 = arith.constant 0 : i32
    %lt3A_150 = arith.cmpi slt, %select_n3A_143, %lt3A_149 : i32
    %ne3A_151 = arith.xori %lt3A_148, %lt3A_150 : i1
    %and3A_152 = arith.andi %ne3A_151, %ne3A_146 : i1
    %add3A_153 = arith.addi %rem3A_144, %select_n3A_143 : i32
    %select_n3A_154 = arith.select %and3A_152, %add3A_153, %rem3A_144 : i32
    %mul3A_155 = arith.constant 256 : i32
    %mul3A_156 = arith.muli %select_n3A_154, %mul3A_155 : i32
    %dma_start3A_157 = tpu.memref_slice %arg4[%mul3A_156] : memref<4096xi32, #tpu.memory_space<vmem>> -> memref<256xi32, #tpu.memory_space<vmem>>
    %dma_start3A_158 = tpu.memref_slice %arg2[%mul3A_156] : memref<4096xi32, #tpu.memory_space<hbm>> -> memref<256xi32, #tpu.memory_space<hbm>>
    %dma_start3A_159 = tpu.memref_slice %arg4[%mul3A_156] : memref<4096xi32, #tpu.memory_space<vmem>> -> memref<256xi32, #tpu.memory_space<vmem>>
    %dma_start3A_160 = tpu.memref_slice %arg2[%mul3A_156] : memref<4096xi32, #tpu.memory_space<hbm>> -> memref<256xi32, #tpu.memory_space<hbm>>
    tpu.enqueue_dma source(%dma_start3A_160 : memref<256xi32, #tpu.memory_space<hbm>>) target(%dma_start3A_159 : memref<256xi32, #tpu.memory_space<vmem>>) target_semaphore(%arg8 : memref<!tpu.dma_semaphore, #tpu.memory_space<semaphore_mem>>)
    %add3A_161 = arith.constant 7 : i32
    %add3A_162 = arith.addi %add3A, %add3A_161 : i32
    %jit3A_163 = arith.constant 16 : i32
    %eq3A_164 = arith.constant 0 : i32
    %eq3A_165 = arith.cmpi eq, %jit3A_163, %eq3A_164 : i32
    %jit3A_166 = arith.constant 1 : i32
    %select_n3A_167 = arith.select %eq3A_165, %jit3A_166, %jit3A_163 : i32
    %rem3A_168 = arith.remsi %add3A_162, %select_n3A_167 : i32
    %ne3A_169 = arith.constant 0 : i32
    %ne3A_170 = arith.cmpi ne, %rem3A_168, %ne3A_169 : i32
    %lt3A_171 = arith.constant 0 : i32
    %lt3A_172 = arith.cmpi slt, %rem3A_168, %lt3A_171 : i32
    %lt3A_173 = arith.constant 0 : i32
    %lt3A_174 = arith.cmpi slt, %select_n3A_167, %lt3A_173 : i32
    %ne3A_175 = arith.xori %lt3A_172, %lt3A_174 : i1
    %and3A_176 = arith.andi %ne3A_175, %ne3A_170 : i1
    %add3A_177 = arith.addi %rem3A_168, %select_n3A_167 : i32
    %select_n3A_178 = arith.select %and3A_176, %add3A_177, %rem3A_168 : i32
    %mul3A_179 = arith.constant 256 : i32
    %mul3A_180 = arith.muli %select_n3A_178, %mul3A_179 : i32
    %dma_start3A_181 = tpu.memref_slice %arg4[%mul3A_180] : memref<4096xi32, #tpu.memory_space<vmem>> -> memref<256xi32, #tpu.memory_space<vmem>>
    %dma_start3A_182 = tpu.memref_slice %arg2[%mul3A_180] : memref<4096xi32, #tpu.memory_space<hbm>> -> memref<256xi32, #tpu.memory_space<hbm>>
    %dma_start3A_183 = tpu.memref_slice %arg4[%mul3A_180] : memref<4096xi32, #tpu.memory_space<vmem>> -> memref<256xi32, #tpu.memory_space<vmem>>
    %dma_start3A_184 = tpu.memref_slice %arg2[%mul3A_180] : memref<4096xi32, #tpu.memory_space<hbm>> -> memref<256xi32, #tpu.memory_space<hbm>>
    tpu.enqueue_dma source(%dma_start3A_184 : memref<256xi32, #tpu.memory_space<hbm>>) target(%dma_start3A_183 : memref<256xi32, #tpu.memory_space<vmem>>) target_semaphore(%arg8 : memref<!tpu.dma_semaphore, #tpu.memory_space<semaphore_mem>>)
    %add3A_185 = arith.constant 8 : i32
    %add3A_186 = arith.addi %add3A, %add3A_185 : i32
    %jit3A_187 = arith.constant 16 : i32
    %eq3A_188 = arith.constant 0 : i32
    %eq3A_189 = arith.cmpi eq, %jit3A_187, %eq3A_188 : i32
    %jit3A_190 = arith.constant 1 : i32
    %select_n3A_191 = arith.select %eq3A_189, %jit3A_190, %jit3A_187 : i32
    %rem3A_192 = arith.remsi %add3A_186, %select_n3A_191 : i32
    %ne3A_193 = arith.constant 0 : i32
    %ne3A_194 = arith.cmpi ne, %rem3A_192, %ne3A_193 : i32
    %lt3A_195 = arith.constant 0 : i32
    %lt3A_196 = arith.cmpi slt, %rem3A_192, %lt3A_195 : i32
    %lt3A_197 = arith.constant 0 : i32
    %lt3A_198 = arith.cmpi slt, %select_n3A_191, %lt3A_197 : i32
    %ne3A_199 = arith.xori %lt3A_196, %lt3A_198 : i1
    %and3A_200 = arith.andi %ne3A_199, %ne3A_194 : i1
    %add3A_201 = arith.addi %rem3A_192, %select_n3A_191 : i32
    %select_n3A_202 = arith.select %and3A_200, %add3A_201, %rem3A_192 : i32
    %mul3A_203 = arith.constant 256 : i32
    %mul3A_204 = arith.muli %select_n3A_202, %mul3A_203 : i32
    %dma_start3A_205 = tpu.memref_slice %arg4[%mul3A_204] : memref<4096xi32, #tpu.memory_space<vmem>> -> memref<256xi32, #tpu.memory_space<vmem>>
    %dma_start3A_206 = tpu.memref_slice %arg2[%mul3A_204] : memref<4096xi32, #tpu.memory_space<hbm>> -> memref<256xi32, #tpu.memory_space<hbm>>
    %dma_start3A_207 = tpu.memref_slice %arg4[%mul3A_204] : memref<4096xi32, #tpu.memory_space<vmem>> -> memref<256xi32, #tpu.memory_space<vmem>>
    %dma_start3A_208 = tpu.memref_slice %arg2[%mul3A_204] : memref<4096xi32, #tpu.memory_space<hbm>> -> memref<256xi32, #tpu.memory_space<hbm>>
    tpu.enqueue_dma source(%dma_start3A_208 : memref<256xi32, #tpu.memory_space<hbm>>) target(%dma_start3A_207 : memref<256xi32, #tpu.memory_space<vmem>>) target_semaphore(%arg8 : memref<!tpu.dma_semaphore, #tpu.memory_space<semaphore_mem>>)
    %add3A_209 = arith.constant 9 : i32
    %add3A_210 = arith.addi %add3A, %add3A_209 : i32
    %jit3A_211 = arith.constant 16 : i32
    %eq3A_212 = arith.constant 0 : i32
    %eq3A_213 = arith.cmpi eq, %jit3A_211, %eq3A_212 : i32
    %jit3A_214 = arith.constant 1 : i32
    %select_n3A_215 = arith.select %eq3A_213, %jit3A_214, %jit3A_211 : i32
    %rem3A_216 = arith.remsi %add3A_210, %select_n3A_215 : i32
    %ne3A_217 = arith.constant 0 : i32
    %ne3A_218 = arith.cmpi ne, %rem3A_216, %ne3A_217 : i32
    %lt3A_219 = arith.constant 0 : i32
    %lt3A_220 = arith.cmpi slt, %rem3A_216, %lt3A_219 : i32
    %lt3A_221 = arith.constant 0 : i32
    %lt3A_222 = arith.cmpi slt, %select_n3A_215, %lt3A_221 : i32
    %ne3A_223 = arith.xori %lt3A_220, %lt3A_222 : i1
    %and3A_224 = arith.andi %ne3A_223, %ne3A_218 : i1
    %add3A_225 = arith.addi %rem3A_216, %select_n3A_215 : i32
    %select_n3A_226 = arith.select %and3A_224, %add3A_225, %rem3A_216 : i32
    %mul3A_227 = arith.constant 256 : i32
    %mul3A_228 = arith.muli %select_n3A_226, %mul3A_227 : i32
    %dma_start3A_229 = tpu.memref_slice %arg4[%mul3A_228] : memref<4096xi32, #tpu.memory_space<vmem>> -> memref<256xi32, #tpu.memory_space<vmem>>
    %dma_start3A_230 = tpu.memref_slice %arg2[%mul3A_228] : memref<4096xi32, #tpu.memory_space<hbm>> -> memref<256xi32, #tpu.memory_space<hbm>>
    %dma_start3A_231 = tpu.memref_slice %arg4[%mul3A_228] : memref<4096xi32, #tpu.memory_space<vmem>> -> memref<256xi32, #tpu.memory_space<vmem>>
    %dma_start3A_232 = tpu.memref_slice %arg2[%mul3A_228] : memref<4096xi32, #tpu.memory_space<hbm>> -> memref<256xi32, #tpu.memory_space<hbm>>
    tpu.enqueue_dma source(%dma_start3A_232 : memref<256xi32, #tpu.memory_space<hbm>>) target(%dma_start3A_231 : memref<256xi32, #tpu.memory_space<vmem>>) target_semaphore(%arg8 : memref<!tpu.dma_semaphore, #tpu.memory_space<semaphore_mem>>)
    %add3A_233 = arith.constant 10 : i32
    %add3A_234 = arith.addi %add3A, %add3A_233 : i32
    %jit3A_235 = arith.constant 16 : i32
    %eq3A_236 = arith.constant 0 : i32
    %eq3A_237 = arith.cmpi eq, %jit3A_235, %eq3A_236 : i32
    %jit3A_238 = arith.constant 1 : i32
    %select_n3A_239 = arith.select %eq3A_237, %jit3A_238, %jit3A_235 : i32
    %rem3A_240 = arith.remsi %add3A_234, %select_n3A_239 : i32
    %ne3A_241 = arith.constant 0 : i32
    %ne3A_242 = arith.cmpi ne, %rem3A_240, %ne3A_241 : i32
    %lt3A_243 = arith.constant 0 : i32
    %lt3A_244 = arith.cmpi slt, %rem3A_240, %lt3A_243 : i32
    %lt3A_245 = arith.constant 0 : i32
    %lt3A_246 = arith.cmpi slt, %select_n3A_239, %lt3A_245 : i32
    %ne3A_247 = arith.xori %lt3A_244, %lt3A_246 : i1
    %and3A_248 = arith.andi %ne3A_247, %ne3A_242 : i1
    %add3A_249 = arith.addi %rem3A_240, %select_n3A_239 : i32
    %select_n3A_250 = arith.select %and3A_248, %add3A_249, %rem3A_240 : i32
    %mul3A_251 = arith.constant 256 : i32
    %mul3A_252 = arith.muli %select_n3A_250, %mul3A_251 : i32
    %dma_start3A_253 = tpu.memref_slice %arg4[%mul3A_252] : memref<4096xi32, #tpu.memory_space<vmem>> -> memref<256xi32, #tpu.memory_space<vmem>>
    %dma_start3A_254 = tpu.memref_slice %arg2[%mul3A_252] : memref<4096xi32, #tpu.memory_space<hbm>> -> memref<256xi32, #tpu.memory_space<hbm>>
    %dma_start3A_255 = tpu.memref_slice %arg4[%mul3A_252] : memref<4096xi32, #tpu.memory_space<vmem>> -> memref<256xi32, #tpu.memory_space<vmem>>
    %dma_start3A_256 = tpu.memref_slice %arg2[%mul3A_252] : memref<4096xi32, #tpu.memory_space<hbm>> -> memref<256xi32, #tpu.memory_space<hbm>>
    tpu.enqueue_dma source(%dma_start3A_256 : memref<256xi32, #tpu.memory_space<hbm>>) target(%dma_start3A_255 : memref<256xi32, #tpu.memory_space<vmem>>) target_semaphore(%arg8 : memref<!tpu.dma_semaphore, #tpu.memory_space<semaphore_mem>>)
    %add3A_257 = arith.constant 11 : i32
    %add3A_258 = arith.addi %add3A, %add3A_257 : i32
    %jit3A_259 = arith.constant 16 : i32
    %eq3A_260 = arith.constant 0 : i32
    %eq3A_261 = arith.cmpi eq, %jit3A_259, %eq3A_260 : i32
    %jit3A_262 = arith.constant 1 : i32
    %select_n3A_263 = arith.select %eq3A_261, %jit3A_262, %jit3A_259 : i32
    %rem3A_264 = arith.remsi %add3A_258, %select_n3A_263 : i32
    %ne3A_265 = arith.constant 0 : i32
    %ne3A_266 = arith.cmpi ne, %rem3A_264, %ne3A_265 : i32
    %lt3A_267 = arith.constant 0 : i32
    %lt3A_268 = arith.cmpi slt, %rem3A_264, %lt3A_267 : i32
    %lt3A_269 = arith.constant 0 : i32
    %lt3A_270 = arith.cmpi slt, %select_n3A_263, %lt3A_269 : i32
    %ne3A_271 = arith.xori %lt3A_268, %lt3A_270 : i1
    %and3A_272 = arith.andi %ne3A_271, %ne3A_266 : i1
    %add3A_273 = arith.addi %rem3A_264, %select_n3A_263 : i32
    %select_n3A_274 = arith.select %and3A_272, %add3A_273, %rem3A_264 : i32
    %mul3A_275 = arith.constant 256 : i32
    %mul3A_276 = arith.muli %select_n3A_274, %mul3A_275 : i32
    %dma_start3A_277 = tpu.memref_slice %arg4[%mul3A_276] : memref<4096xi32, #tpu.memory_space<vmem>> -> memref<256xi32, #tpu.memory_space<vmem>>
    %dma_start3A_278 = tpu.memref_slice %arg2[%mul3A_276] : memref<4096xi32, #tpu.memory_space<hbm>> -> memref<256xi32, #tpu.memory_space<hbm>>
    %dma_start3A_279 = tpu.memref_slice %arg4[%mul3A_276] : memref<4096xi32, #tpu.memory_space<vmem>> -> memref<256xi32, #tpu.memory_space<vmem>>
    %dma_start3A_280 = tpu.memref_slice %arg2[%mul3A_276] : memref<4096xi32, #tpu.memory_space<hbm>> -> memref<256xi32, #tpu.memory_space<hbm>>
    tpu.enqueue_dma source(%dma_start3A_280 : memref<256xi32, #tpu.memory_space<hbm>>) target(%dma_start3A_279 : memref<256xi32, #tpu.memory_space<vmem>>) target_semaphore(%arg8 : memref<!tpu.dma_semaphore, #tpu.memory_space<semaphore_mem>>)
    %add3A_281 = arith.constant 12 : i32
    %add3A_282 = arith.addi %add3A, %add3A_281 : i32
    %jit3A_283 = arith.constant 16 : i32
    %eq3A_284 = arith.constant 0 : i32
    %eq3A_285 = arith.cmpi eq, %jit3A_283, %eq3A_284 : i32
    %jit3A_286 = arith.constant 1 : i32
    %select_n3A_287 = arith.select %eq3A_285, %jit3A_286, %jit3A_283 : i32
    %rem3A_288 = arith.remsi %add3A_282, %select_n3A_287 : i32
    %ne3A_289 = arith.constant 0 : i32
    %ne3A_290 = arith.cmpi ne, %rem3A_288, %ne3A_289 : i32
    %lt3A_291 = arith.constant 0 : i32
    %lt3A_292 = arith.cmpi slt, %rem3A_288, %lt3A_291 : i32
    %lt3A_293 = arith.constant 0 : i32
    %lt3A_294 = arith.cmpi slt, %select_n3A_287, %lt3A_293 : i32
    %ne3A_295 = arith.xori %lt3A_292, %lt3A_294 : i1
    %and3A_296 = arith.andi %ne3A_295, %ne3A_290 : i1
    %add3A_297 = arith.addi %rem3A_288, %select_n3A_287 : i32
    %select_n3A_298 = arith.select %and3A_296, %add3A_297, %rem3A_288 : i32
    %mul3A_299 = arith.constant 256 : i32
    %mul3A_300 = arith.muli %select_n3A_298, %mul3A_299 : i32
    %dma_start3A_301 = tpu.memref_slice %arg4[%mul3A_300] : memref<4096xi32, #tpu.memory_space<vmem>> -> memref<256xi32, #tpu.memory_space<vmem>>
    %dma_start3A_302 = tpu.memref_slice %arg2[%mul3A_300] : memref<4096xi32, #tpu.memory_space<hbm>> -> memref<256xi32, #tpu.memory_space<hbm>>
    %dma_start3A_303 = tpu.memref_slice %arg4[%mul3A_300] : memref<4096xi32, #tpu.memory_space<vmem>> -> memref<256xi32, #tpu.memory_space<vmem>>
    %dma_start3A_304 = tpu.memref_slice %arg2[%mul3A_300] : memref<4096xi32, #tpu.memory_space<hbm>> -> memref<256xi32, #tpu.memory_space<hbm>>
    tpu.enqueue_dma source(%dma_start3A_304 : memref<256xi32, #tpu.memory_space<hbm>>) target(%dma_start3A_303 : memref<256xi32, #tpu.memory_space<vmem>>) target_semaphore(%arg8 : memref<!tpu.dma_semaphore, #tpu.memory_space<semaphore_mem>>)
    %add3A_305 = arith.constant 13 : i32
    %add3A_306 = arith.addi %add3A, %add3A_305 : i32
    %jit3A_307 = arith.constant 16 : i32
    %eq3A_308 = arith.constant 0 : i32
    %eq3A_309 = arith.cmpi eq, %jit3A_307, %eq3A_308 : i32
    %jit3A_310 = arith.constant 1 : i32
    %select_n3A_311 = arith.select %eq3A_309, %jit3A_310, %jit3A_307 : i32
    %rem3A_312 = arith.remsi %add3A_306, %select_n3A_311 : i32
    %ne3A_313 = arith.constant 0 : i32
    %ne3A_314 = arith.cmpi ne, %rem3A_312, %ne3A_313 : i32
    %lt3A_315 = arith.constant 0 : i32
    %lt3A_316 = arith.cmpi slt, %rem3A_312, %lt3A_315 : i32
    %lt3A_317 = arith.constant 0 : i32
    %lt3A_318 = arith.cmpi slt, %select_n3A_311, %lt3A_317 : i32
    %ne3A_319 = arith.xori %lt3A_316, %lt3A_318 : i1
    %and3A_320 = arith.andi %ne3A_319, %ne3A_314 : i1
    %add3A_321 = arith.addi %rem3A_312, %select_n3A_311 : i32
    %select_n3A_322 = arith.select %and3A_320, %add3A_321, %rem3A_312 : i32
    %mul3A_323 = arith.constant 256 : i32
    %mul3A_324 = arith.muli %select_n3A_322, %mul3A_323 : i32
    %dma_start3A_325 = tpu.memref_slice %arg4[%mul3A_324] : memref<4096xi32, #tpu.memory_space<vmem>> -> memref<256xi32, #tpu.memory_space<vmem>>
    %dma_start3A_326 = tpu.memref_slice %arg2[%mul3A_324] : memref<4096xi32, #tpu.memory_space<hbm>> -> memref<256xi32, #tpu.memory_space<hbm>>
    %dma_start3A_327 = tpu.memref_slice %arg4[%mul3A_324] : memref<4096xi32, #tpu.memory_space<vmem>> -> memref<256xi32, #tpu.memory_space<vmem>>
    %dma_start3A_328 = tpu.memref_slice %arg2[%mul3A_324] : memref<4096xi32, #tpu.memory_space<hbm>> -> memref<256xi32, #tpu.memory_space<hbm>>
    tpu.enqueue_dma source(%dma_start3A_328 : memref<256xi32, #tpu.memory_space<hbm>>) target(%dma_start3A_327 : memref<256xi32, #tpu.memory_space<vmem>>) target_semaphore(%arg8 : memref<!tpu.dma_semaphore, #tpu.memory_space<semaphore_mem>>)
    %add3A_329 = arith.constant 14 : i32
    %add3A_330 = arith.addi %add3A, %add3A_329 : i32
    %jit3A_331 = arith.constant 16 : i32
    %eq3A_332 = arith.constant 0 : i32
    %eq3A_333 = arith.cmpi eq, %jit3A_331, %eq3A_332 : i32
    %jit3A_334 = arith.constant 1 : i32
    %select_n3A_335 = arith.select %eq3A_333, %jit3A_334, %jit3A_331 : i32
    %rem3A_336 = arith.remsi %add3A_330, %select_n3A_335 : i32
    %ne3A_337 = arith.constant 0 : i32
    %ne3A_338 = arith.cmpi ne, %rem3A_336, %ne3A_337 : i32
    %lt3A_339 = arith.constant 0 : i32
    %lt3A_340 = arith.cmpi slt, %rem3A_336, %lt3A_339 : i32
    %lt3A_341 = arith.constant 0 : i32
    %lt3A_342 = arith.cmpi slt, %select_n3A_335, %lt3A_341 : i32
    %ne3A_343 = arith.xori %lt3A_340, %lt3A_342 : i1
    %and3A_344 = arith.andi %ne3A_343, %ne3A_338 : i1
    %add3A_345 = arith.addi %rem3A_336, %select_n3A_335 : i32
    %select_n3A_346 = arith.select %and3A_344, %add3A_345, %rem3A_336 : i32
    %mul3A_347 = arith.constant 256 : i32
    %mul3A_348 = arith.muli %select_n3A_346, %mul3A_347 : i32
    %dma_start3A_349 = tpu.memref_slice %arg4[%mul3A_348] : memref<4096xi32, #tpu.memory_space<vmem>> -> memref<256xi32, #tpu.memory_space<vmem>>
    %dma_start3A_350 = tpu.memref_slice %arg2[%mul3A_348] : memref<4096xi32, #tpu.memory_space<hbm>> -> memref<256xi32, #tpu.memory_space<hbm>>
    %dma_start3A_351 = tpu.memref_slice %arg4[%mul3A_348] : memref<4096xi32, #tpu.memory_space<vmem>> -> memref<256xi32, #tpu.memory_space<vmem>>
    %dma_start3A_352 = tpu.memref_slice %arg2[%mul3A_348] : memref<4096xi32, #tpu.memory_space<hbm>> -> memref<256xi32, #tpu.memory_space<hbm>>
    tpu.enqueue_dma source(%dma_start3A_352 : memref<256xi32, #tpu.memory_space<hbm>>) target(%dma_start3A_351 : memref<256xi32, #tpu.memory_space<vmem>>) target_semaphore(%arg8 : memref<!tpu.dma_semaphore, #tpu.memory_space<semaphore_mem>>)
    %add3A_353 = arith.constant 15 : i32
    %add3A_354 = arith.addi %add3A, %add3A_353 : i32
    %jit3A_355 = arith.constant 16 : i32
    %eq3A_356 = arith.constant 0 : i32
    %eq3A_357 = arith.cmpi eq, %jit3A_355, %eq3A_356 : i32
    %jit3A_358 = arith.constant 1 : i32
    %select_n3A_359 = arith.select %eq3A_357, %jit3A_358, %jit3A_355 : i32
    %rem3A_360 = arith.remsi %add3A_354, %select_n3A_359 : i32
    %ne3A_361 = arith.constant 0 : i32
    %ne3A_362 = arith.cmpi ne, %rem3A_360, %ne3A_361 : i32
    %lt3A_363 = arith.constant 0 : i32
    %lt3A_364 = arith.cmpi slt, %rem3A_360, %lt3A_363 : i32
    %lt3A_365 = arith.constant 0 : i32
    %lt3A_366 = arith.cmpi slt, %select_n3A_359, %lt3A_365 : i32
    %ne3A_367 = arith.xori %lt3A_364, %lt3A_366 : i1
    %and3A_368 = arith.andi %ne3A_367, %ne3A_362 : i1
    %add3A_369 = arith.addi %rem3A_360, %select_n3A_359 : i32
    %select_n3A_370 = arith.select %and3A_368, %add3A_369, %rem3A_360 : i32
    %mul3A_371 = arith.constant 256 : i32
    %mul3A_372 = arith.muli %select_n3A_370, %mul3A_371 : i32
    %dma_start3A_373 = tpu.memref_slice %arg4[%mul3A_372] : memref<4096xi32, #tpu.memory_space<vmem>> -> memref<256xi32, #tpu.memory_space<vmem>>
    %dma_start3A_374 = tpu.memref_slice %arg2[%mul3A_372] : memref<4096xi32, #tpu.memory_space<hbm>> -> memref<256xi32, #tpu.memory_space<hbm>>
    %dma_start3A_375 = tpu.memref_slice %arg4[%mul3A_372] : memref<4096xi32, #tpu.memory_space<vmem>> -> memref<256xi32, #tpu.memory_space<vmem>>
    %dma_start3A_376 = tpu.memref_slice %arg2[%mul3A_372] : memref<4096xi32, #tpu.memory_space<hbm>> -> memref<256xi32, #tpu.memory_space<hbm>>
    tpu.enqueue_dma source(%dma_start3A_376 : memref<256xi32, #tpu.memory_space<hbm>>) target(%dma_start3A_375 : memref<256xi32, #tpu.memory_space<vmem>>) target_semaphore(%arg8 : memref<!tpu.dma_semaphore, #tpu.memory_space<semaphore_mem>>)
    %dma_wait3A = tpu.memref_slice %arg4[%mul3A_13] : memref<4096xi32, #tpu.memory_space<vmem>> -> memref<256xi32, #tpu.memory_space<vmem>>
    %dma_wait3A_377 = tpu.memref_slice %arg2[%mul3A_13] : memref<4096xi32, #tpu.memory_space<hbm>> -> memref<256xi32, #tpu.memory_space<hbm>>
    %dma_wait3A_378 = tpu.memref_slice %arg4[%mul3A_13] : memref<4096xi32, #tpu.memory_space<vmem>> -> memref<256xi32, #tpu.memory_space<vmem>>
    %dma_wait3A_379 = tpu.memref_slice %arg2[%mul3A_13] : memref<4096xi32, #tpu.memory_space<hbm>> -> memref<256xi32, #tpu.memory_space<hbm>>
    tpu.wait_dma2 semaphore(%arg8 : memref<!tpu.dma_semaphore, #tpu.memory_space<semaphore_mem>>) src(%dma_wait3A_379 : memref<256xi32, #tpu.memory_space<hbm>>) dst(%dma_wait3A_378 : memref<256xi32, #tpu.memory_space<vmem>>)
    %dma_wait3A_380 = tpu.memref_slice %arg4[%mul3A_36] : memref<4096xi32, #tpu.memory_space<vmem>> -> memref<256xi32, #tpu.memory_space<vmem>>
    %dma_wait3A_381 = tpu.memref_slice %arg2[%mul3A_36] : memref<4096xi32, #tpu.memory_space<hbm>> -> memref<256xi32, #tpu.memory_space<hbm>>
    %dma_wait3A_382 = tpu.memref_slice %arg4[%mul3A_36] : memref<4096xi32, #tpu.memory_space<vmem>> -> memref<256xi32, #tpu.memory_space<vmem>>
    %dma_wait3A_383 = tpu.memref_slice %arg2[%mul3A_36] : memref<4096xi32, #tpu.memory_space<hbm>> -> memref<256xi32, #tpu.memory_space<hbm>>
    tpu.wait_dma2 semaphore(%arg8 : memref<!tpu.dma_semaphore, #tpu.memory_space<semaphore_mem>>) src(%dma_wait3A_383 : memref<256xi32, #tpu.memory_space<hbm>>) dst(%dma_wait3A_382 : memref<256xi32, #tpu.memory_space<vmem>>)
    %dma_wait3A_384 = tpu.memref_slice %arg4[%mul3A_60] : memref<4096xi32, #tpu.memory_space<vmem>> -> memref<256xi32, #tpu.memory_space<vmem>>
    %dma_wait3A_385 = tpu.memref_slice %arg2[%mul3A_60] : memref<4096xi32, #tpu.memory_space<hbm>> -> memref<256xi32, #tpu.memory_space<hbm>>
    %dma_wait3A_386 = tpu.memref_slice %arg4[%mul3A_60] : memref<4096xi32, #tpu.memory_space<vmem>> -> memref<256xi32, #tpu.memory_space<vmem>>
    %dma_wait3A_387 = tpu.memref_slice %arg2[%mul3A_60] : memref<4096xi32, #tpu.memory_space<hbm>> -> memref<256xi32, #tpu.memory_space<hbm>>
    tpu.wait_dma2 semaphore(%arg8 : memref<!tpu.dma_semaphore, #tpu.memory_space<semaphore_mem>>) src(%dma_wait3A_387 : memref<256xi32, #tpu.memory_space<hbm>>) dst(%dma_wait3A_386 : memref<256xi32, #tpu.memory_space<vmem>>)
    %dma_wait3A_388 = tpu.memref_slice %arg4[%mul3A_84] : memref<4096xi32, #tpu.memory_space<vmem>> -> memref<256xi32, #tpu.memory_space<vmem>>
    %dma_wait3A_389 = tpu.memref_slice %arg2[%mul3A_84] : memref<4096xi32, #tpu.memory_space<hbm>> -> memref<256xi32, #tpu.memory_space<hbm>>
    %dma_wait3A_390 = tpu.memref_slice %arg4[%mul3A_84] : memref<4096xi32, #tpu.memory_space<vmem>> -> memref<256xi32, #tpu.memory_space<vmem>>
    %dma_wait3A_391 = tpu.memref_slice %arg2[%mul3A_84] : memref<4096xi32, #tpu.memory_space<hbm>> -> memref<256xi32, #tpu.memory_space<hbm>>
    tpu.wait_dma2 semaphore(%arg8 : memref<!tpu.dma_semaphore, #tpu.memory_space<semaphore_mem>>) src(%dma_wait3A_391 : memref<256xi32, #tpu.memory_space<hbm>>) dst(%dma_wait3A_390 : memref<256xi32, #tpu.memory_space<vmem>>)
    %dma_wait3A_392 = tpu.memref_slice %arg4[%mul3A_108] : memref<4096xi32, #tpu.memory_space<vmem>> -> memref<256xi32, #tpu.memory_space<vmem>>
    %dma_wait3A_393 = tpu.memref_slice %arg2[%mul3A_108] : memref<4096xi32, #tpu.memory_space<hbm>> -> memref<256xi32, #tpu.memory_space<hbm>>
    %dma_wait3A_394 = tpu.memref_slice %arg4[%mul3A_108] : memref<4096xi32, #tpu.memory_space<vmem>> -> memref<256xi32, #tpu.memory_space<vmem>>
    %dma_wait3A_395 = tpu.memref_slice %arg2[%mul3A_108] : memref<4096xi32, #tpu.memory_space<hbm>> -> memref<256xi32, #tpu.memory_space<hbm>>
    tpu.wait_dma2 semaphore(%arg8 : memref<!tpu.dma_semaphore, #tpu.memory_space<semaphore_mem>>) src(%dma_wait3A_395 : memref<256xi32, #tpu.memory_space<hbm>>) dst(%dma_wait3A_394 : memref<256xi32, #tpu.memory_space<vmem>>)
    %dma_wait3A_396 = tpu.memref_slice %arg4[%mul3A_132] : memref<4096xi32, #tpu.memory_space<vmem>> -> memref<256xi32, #tpu.memory_space<vmem>>
    %dma_wait3A_397 = tpu.memref_slice %arg2[%mul3A_132] : memref<4096xi32, #tpu.memory_space<hbm>> -> memref<256xi32, #tpu.memory_space<hbm>>
    %dma_wait3A_398 = tpu.memref_slice %arg4[%mul3A_132] : memref<4096xi32, #tpu.memory_space<vmem>> -> memref<256xi32, #tpu.memory_space<vmem>>
    %dma_wait3A_399 = tpu.memref_slice %arg2[%mul3A_132] : memref<4096xi32, #tpu.memory_space<hbm>> -> memref<256xi32, #tpu.memory_space<hbm>>
    tpu.wait_dma2 semaphore(%arg8 : memref<!tpu.dma_semaphore, #tpu.memory_space<semaphore_mem>>) src(%dma_wait3A_399 : memref<256xi32, #tpu.memory_space<hbm>>) dst(%dma_wait3A_398 : memref<256xi32, #tpu.memory_space<vmem>>)
    %dma_wait3A_400 = tpu.memref_slice %arg4[%mul3A_156] : memref<4096xi32, #tpu.memory_space<vmem>> -> memref<256xi32, #tpu.memory_space<vmem>>
    %dma_wait3A_401 = tpu.memref_slice %arg2[%mul3A_156] : memref<4096xi32, #tpu.memory_space<hbm>> -> memref<256xi32, #tpu.memory_space<hbm>>
    %dma_wait3A_402 = tpu.memref_slice %arg4[%mul3A_156] : memref<4096xi32, #tpu.memory_space<vmem>> -> memref<256xi32, #tpu.memory_space<vmem>>
    %dma_wait3A_403 = tpu.memref_slice %arg2[%mul3A_156] : memref<4096xi32, #tpu.memory_space<hbm>> -> memref<256xi32, #tpu.memory_space<hbm>>
    tpu.wait_dma2 semaphore(%arg8 : memref<!tpu.dma_semaphore, #tpu.memory_space<semaphore_mem>>) src(%dma_wait3A_403 : memref<256xi32, #tpu.memory_space<hbm>>) dst(%dma_wait3A_402 : memref<256xi32, #tpu.memory_space<vmem>>)
    %dma_wait3A_404 = tpu.memref_slice %arg4[%mul3A_180] : memref<4096xi32, #tpu.memory_space<vmem>> -> memref<256xi32, #tpu.memory_space<vmem>>
    %dma_wait3A_405 = tpu.memref_slice %arg2[%mul3A_180] : memref<4096xi32, #tpu.memory_space<hbm>> -> memref<256xi32, #tpu.memory_space<hbm>>
    %dma_wait3A_406 = tpu.memref_slice %arg4[%mul3A_180] : memref<4096xi32, #tpu.memory_space<vmem>> -> memref<256xi32, #tpu.memory_space<vmem>>
    %dma_wait3A_407 = tpu.memref_slice %arg2[%mul3A_180] : memref<4096xi32, #tpu.memory_space<hbm>> -> memref<256xi32, #tpu.memory_space<hbm>>
    tpu.wait_dma2 semaphore(%arg8 : memref<!tpu.dma_semaphore, #tpu.memory_space<semaphore_mem>>) src(%dma_wait3A_407 : memref<256xi32, #tpu.memory_space<hbm>>) dst(%dma_wait3A_406 : memref<256xi32, #tpu.memory_space<vmem>>)
    %dma_wait3A_408 = tpu.memref_slice %arg4[%mul3A_204] : memref<4096xi32, #tpu.memory_space<vmem>> -> memref<256xi32, #tpu.memory_space<vmem>>
    %dma_wait3A_409 = tpu.memref_slice %arg2[%mul3A_204] : memref<4096xi32, #tpu.memory_space<hbm>> -> memref<256xi32, #tpu.memory_space<hbm>>
    %dma_wait3A_410 = tpu.memref_slice %arg4[%mul3A_204] : memref<4096xi32, #tpu.memory_space<vmem>> -> memref<256xi32, #tpu.memory_space<vmem>>
    %dma_wait3A_411 = tpu.memref_slice %arg2[%mul3A_204] : memref<4096xi32, #tpu.memory_space<hbm>> -> memref<256xi32, #tpu.memory_space<hbm>>
    tpu.wait_dma2 semaphore(%arg8 : memref<!tpu.dma_semaphore, #tpu.memory_space<semaphore_mem>>) src(%dma_wait3A_411 : memref<256xi32, #tpu.memory_space<hbm>>) dst(%dma_wait3A_410 : memref<256xi32, #tpu.memory_space<vmem>>)
    %dma_wait3A_412 = tpu.memref_slice %arg4[%mul3A_228] : memref<4096xi32, #tpu.memory_space<vmem>> -> memref<256xi32, #tpu.memory_space<vmem>>
    %dma_wait3A_413 = tpu.memref_slice %arg2[%mul3A_228] : memref<4096xi32, #tpu.memory_space<hbm>> -> memref<256xi32, #tpu.memory_space<hbm>>
    %dma_wait3A_414 = tpu.memref_slice %arg4[%mul3A_228] : memref<4096xi32, #tpu.memory_space<vmem>> -> memref<256xi32, #tpu.memory_space<vmem>>
    %dma_wait3A_415 = tpu.memref_slice %arg2[%mul3A_228] : memref<4096xi32, #tpu.memory_space<hbm>> -> memref<256xi32, #tpu.memory_space<hbm>>
    tpu.wait_dma2 semaphore(%arg8 : memref<!tpu.dma_semaphore, #tpu.memory_space<semaphore_mem>>) src(%dma_wait3A_415 : memref<256xi32, #tpu.memory_space<hbm>>) dst(%dma_wait3A_414 : memref<256xi32, #tpu.memory_space<vmem>>)
    %dma_wait3A_416 = tpu.memref_slice %arg4[%mul3A_252] : memref<4096xi32, #tpu.memory_space<vmem>> -> memref<256xi32, #tpu.memory_space<vmem>>
    %dma_wait3A_417 = tpu.memref_slice %arg2[%mul3A_252] : memref<4096xi32, #tpu.memory_space<hbm>> -> memref<256xi32, #tpu.memory_space<hbm>>
    %dma_wait3A_418 = tpu.memref_slice %arg4[%mul3A_252] : memref<4096xi32, #tpu.memory_space<vmem>> -> memref<256xi32, #tpu.memory_space<vmem>>
    %dma_wait3A_419 = tpu.memref_slice %arg2[%mul3A_252] : memref<4096xi32, #tpu.memory_space<hbm>> -> memref<256xi32, #tpu.memory_space<hbm>>
    tpu.wait_dma2 semaphore(%arg8 : memref<!tpu.dma_semaphore, #tpu.memory_space<semaphore_mem>>) src(%dma_wait3A_419 : memref<256xi32, #tpu.memory_space<hbm>>) dst(%dma_wait3A_418 : memref<256xi32, #tpu.memory_space<vmem>>)
    %dma_wait3A_420 = tpu.memref_slice %arg4[%mul3A_276] : memref<4096xi32, #tpu.memory_space<vmem>> -> memref<256xi32, #tpu.memory_space<vmem>>
    %dma_wait3A_421 = tpu.memref_slice %arg2[%mul3A_276] : memref<4096xi32, #tpu.memory_space<hbm>> -> memref<256xi32, #tpu.memory_space<hbm>>
    %dma_wait3A_422 = tpu.memref_slice %arg4[%mul3A_276] : memref<4096xi32, #tpu.memory_space<vmem>> -> memref<256xi32, #tpu.memory_space<vmem>>
    %dma_wait3A_423 = tpu.memref_slice %arg2[%mul3A_276] : memref<4096xi32, #tpu.memory_space<hbm>> -> memref<256xi32, #tpu.memory_space<hbm>>
    tpu.wait_dma2 semaphore(%arg8 : memref<!tpu.dma_semaphore, #tpu.memory_space<semaphore_mem>>) src(%dma_wait3A_423 : memref<256xi32, #tpu.memory_space<hbm>>) dst(%dma_wait3A_422 : memref<256xi32, #tpu.memory_space<vmem>>)
    %dma_wait3A_424 = tpu.memref_slice %arg4[%mul3A_300] : memref<4096xi32, #tpu.memory_space<vmem>> -> memref<256xi32, #tpu.memory_space<vmem>>
    %dma_wait3A_425 = tpu.memref_slice %arg2[%mul3A_300] : memref<4096xi32, #tpu.memory_space<hbm>> -> memref<256xi32, #tpu.memory_space<hbm>>
    %dma_wait3A_426 = tpu.memref_slice %arg4[%mul3A_300] : memref<4096xi32, #tpu.memory_space<vmem>> -> memref<256xi32, #tpu.memory_space<vmem>>
    %dma_wait3A_427 = tpu.memref_slice %arg2[%mul3A_300] : memref<4096xi32, #tpu.memory_space<hbm>> -> memref<256xi32, #tpu.memory_space<hbm>>
    tpu.wait_dma2 semaphore(%arg8 : memref<!tpu.dma_semaphore, #tpu.memory_space<semaphore_mem>>) src(%dma_wait3A_427 : memref<256xi32, #tpu.memory_space<hbm>>) dst(%dma_wait3A_426 : memref<256xi32, #tpu.memory_space<vmem>>)
    %dma_wait3A_428 = tpu.memref_slice %arg4[%mul3A_324] : memref<4096xi32, #tpu.memory_space<vmem>> -> memref<256xi32, #tpu.memory_space<vmem>>
    %dma_wait3A_429 = tpu.memref_slice %arg2[%mul3A_324] : memref<4096xi32, #tpu.memory_space<hbm>> -> memref<256xi32, #tpu.memory_space<hbm>>
    %dma_wait3A_430 = tpu.memref_slice %arg4[%mul3A_324] : memref<4096xi32, #tpu.memory_space<vmem>> -> memref<256xi32, #tpu.memory_space<vmem>>
    %dma_wait3A_431 = tpu.memref_slice %arg2[%mul3A_324] : memref<4096xi32, #tpu.memory_space<hbm>> -> memref<256xi32, #tpu.memory_space<hbm>>
    tpu.wait_dma2 semaphore(%arg8 : memref<!tpu.dma_semaphore, #tpu.memory_space<semaphore_mem>>) src(%dma_wait3A_431 : memref<256xi32, #tpu.memory_space<hbm>>) dst(%dma_wait3A_430 : memref<256xi32, #tpu.memory_space<vmem>>)
    %dma_wait3A_432 = tpu.memref_slice %arg4[%mul3A_348] : memref<4096xi32, #tpu.memory_space<vmem>> -> memref<256xi32, #tpu.memory_space<vmem>>
    %dma_wait3A_433 = tpu.memref_slice %arg2[%mul3A_348] : memref<4096xi32, #tpu.memory_space<hbm>> -> memref<256xi32, #tpu.memory_space<hbm>>
    %dma_wait3A_434 = tpu.memref_slice %arg4[%mul3A_348] : memref<4096xi32, #tpu.memory_space<vmem>> -> memref<256xi32, #tpu.memory_space<vmem>>
    %dma_wait3A_435 = tpu.memref_slice %arg2[%mul3A_348] : memref<4096xi32, #tpu.memory_space<hbm>> -> memref<256xi32, #tpu.memory_space<hbm>>
    tpu.wait_dma2 semaphore(%arg8 : memref<!tpu.dma_semaphore, #tpu.memory_space<semaphore_mem>>) src(%dma_wait3A_435 : memref<256xi32, #tpu.memory_space<hbm>>) dst(%dma_wait3A_434 : memref<256xi32, #tpu.memory_space<vmem>>)
    %dma_wait3A_436 = tpu.memref_slice %arg4[%mul3A_372] : memref<4096xi32, #tpu.memory_space<vmem>> -> memref<256xi32, #tpu.memory_space<vmem>>
    %dma_wait3A_437 = tpu.memref_slice %arg2[%mul3A_372] : memref<4096xi32, #tpu.memory_space<hbm>> -> memref<256xi32, #tpu.memory_space<hbm>>
    %dma_wait3A_438 = tpu.memref_slice %arg4[%mul3A_372] : memref<4096xi32, #tpu.memory_space<vmem>> -> memref<256xi32, #tpu.memory_space<vmem>>
    %dma_wait3A_439 = tpu.memref_slice %arg2[%mul3A_372] : memref<4096xi32, #tpu.memory_space<hbm>> -> memref<256xi32, #tpu.memory_space<hbm>>
    tpu.wait_dma2 semaphore(%arg8 : memref<!tpu.dma_semaphore, #tpu.memory_space<semaphore_mem>>) src(%dma_wait3A_439 : memref<256xi32, #tpu.memory_space<hbm>>) dst(%dma_wait3A_438 : memref<256xi32, #tpu.memory_space<vmem>>)
    %broadcast_in_dim3A = arith.constant 0 : i32
    %broadcast_in_dim3A_440 = vector.broadcast %broadcast_in_dim3A : i32 to vector<16xi32>
    %swap3A = arith.constant 0 : index
    %swap3A_441 = tpu.vector_load %arg6[%swap3A] {strides = array<i32>} : memref<32xi32, #tpu.memory_space<vmem>>, vector<16xi32>,
    tpu.vector_store %arg6[%swap3A], %broadcast_in_dim3A_440 {strides = array<i32>} : memref<32xi32, #tpu.memory_space<vmem>>, vector<16xi32>,
    %broadcast_in_dim3A_442 = arith.constant 0 : i32
    %broadcast_in_dim3A_443 = vector.broadcast %broadcast_in_dim3A_442 : i32 to vector<16xi32>
    %swap3A_444 = arith.constant 16 : index
    %swap3A_445 = tpu.vector_load %arg6[%swap3A_444] {strides = array<i32>} : memref<32xi32, #tpu.memory_space<vmem>>, vector<16xi32>,
    tpu.vector_store %arg6[%swap3A_444], %broadcast_in_dim3A_443 {strides = array<i32>} : memref<32xi32, #tpu.memory_space<vmem>>, vector<16xi32>,
    %iota3A = tpu.iota {dimensions = array<i32: 0>} : vector<16xi32>
    %broadcast_in_dim3A_446 = arith.constant 0 : i32
    %broadcast_in_dim3A_447 = vector.broadcast %broadcast_in_dim3A_446 : i32 to vector<16xi32>
    %parallel_loop3A = arith.constant 0 : i32
    %parallel_loop3A_448 = arith.constant 256 : i32
    %parallel_loop3A_449 = arith.constant 1 : i32
    %parallel_loop3A_450 = scf.for %parallel_loop3A_480 = %parallel_loop3A to %parallel_loop3A_448 step %parallel_loop3A_449 iter_args(%parallel_loop3A_481 = %broadcast_in_dim3A_447) -> (vector<16xi32>)  : i32 {
      %parallel_loop3A_482 = arith.constant 16 : i32
      %parallel_loop3A_483 = arith.muli %parallel_loop3A_480, %parallel_loop3A_482 : i32
      %parallel_loop3A_484 = arith.index_cast %parallel_loop3A_483 : i32 to index
      %parallel_loop3A_485 = tpu.vector_load %arg4[%parallel_loop3A_484] {strides = array<i32>} : memref<4096xi32, #tpu.memory_space<vmem>>, vector<16xi32>,
      %parallel_loop3A_486 = arith.constant 255 : i32
      %parallel_loop3A_487 = vector.broadcast %parallel_loop3A_486 : i32 to vector<16xi32>
      %parallel_loop3A_488 = arith.andi %parallel_loop3A_485, %parallel_loop3A_487 : vector<16xi32>
      %parallel_loop3A_489 = arith.constant 3 : i32
      %parallel_loop3A_490 = vector.broadcast %parallel_loop3A_489 : i32 to vector<16xi32>
      %parallel_loop3A_491 = arith.shrsi %parallel_loop3A_488, %parallel_loop3A_490 : vector<16xi32>
      %parallel_loop3A_492 = vector.broadcast %add3A : i32 to vector<16xi32>
      %parallel_loop3A_493 = arith.cmpi eq, %parallel_loop3A_491, %parallel_loop3A_492 : vector<16xi32>
      %parallel_loop3A_494 = arith.constant 7 : i32
      %parallel_loop3A_495 = vector.broadcast %parallel_loop3A_494 : i32 to vector<16xi32>
      %parallel_loop3A_496 = arith.andi %parallel_loop3A_488, %parallel_loop3A_495 : vector<16xi32>
      %parallel_loop3A_497 = arith.constant -256 : i32
      %parallel_loop3A_498 = vector.broadcast %parallel_loop3A_497 : i32 to vector<16xi32>
      %parallel_loop3A_499 = arith.andi %parallel_loop3A_485, %parallel_loop3A_498 : vector<16xi32>
      %parallel_loop3A_500 = vector.bitcast %parallel_loop3A_499 : vector<16xi32> to vector<16xf32>
      %parallel_loop3A_501, %parallel_loop3A_502 = tpu.scan_count mask(%parallel_loop3A_493 : vector<16xi1>) value(%parallel_loop3A_488 : vector<16xi32>) : vector<16xi1>, vector<16xi32>
      %parallel_loop3A_503 = vector.shape_cast %parallel_loop3A_496 : vector<16xi32> to vector<16x1xi32>
      %parallel_loop3A_504 = vector.shape_cast %parallel_loop3A_503 : vector<16x1xi32> to vector<16xi32>
      %parallel_loop3A_505 = tpu.dynamic_gather %parallel_loop3A_481[%parallel_loop3A_504] in [0] : vector<16xi32>, vector<16xi32> -> vector<16xi32>
      %parallel_loop3A_506 = arith.constant 4144 : i32
      %parallel_loop3A_507 = vector.broadcast %parallel_loop3A_506 : i32 to vector<16xi32>
      %parallel_loop3A_508 = arith.muli %parallel_loop3A_496, %parallel_loop3A_507 : vector<16xi32>
      %parallel_loop3A_509 = arith.addi %parallel_loop3A_508, %parallel_loop3A_505 : vector<16xi32>
      %parallel_loop3A_510 = arith.constant 1 : i32
      %parallel_loop3A_511 = vector.broadcast %parallel_loop3A_510 : i32 to vector<16xi32>
      %parallel_loop3A_512 = arith.subi %parallel_loop3A_502, %parallel_loop3A_511 : vector<16xi32>
      %parallel_loop3A_513 = arith.addi %parallel_loop3A_509, %parallel_loop3A_512 : vector<16xi32>
      tpu.vector_store_idx %arg7[%parallel_loop3A_513], %parallel_loop3A_500 masked %parallel_loop3A_493 : memref<33152xf32, #tpu.memory_space<vmem>>[vector<16xi32>], vector<16xf32>, vector<16xi1>
      %parallel_loop3A_514 = arith.constant 0 : i32
      %parallel_loop3A_515 = vector.broadcast %parallel_loop3A_514 : i32 to vector<16xi32>
      %parallel_loop3A_516 = arith.constant 0 : i32
      %parallel_loop3A_517 = vector.broadcast %parallel_loop3A_516 : i32 to vector<16xi32>
      %parallel_loop3A_518 = arith.cmpi eq, %parallel_loop3A_496, %parallel_loop3A_517 : vector<16xi32>
      %parallel_loop3A_519 = arith.andi %parallel_loop3A_493, %parallel_loop3A_518 : vector<16xi1>
      %parallel_loop3A_520 = tpu.all_reduce %parallel_loop3A_519 {dim = 0 : i64, kind = #tpu.reduction_kind<sum>} : vector<16xi1> -> vector<16xi32>
      %parallel_loop3A_521 = arith.constant 0 : i32
      %parallel_loop3A_522 = vector.broadcast %parallel_loop3A_521 : i32 to vector<16xi32>
      %parallel_loop3A_523 = arith.cmpi eq, %iota3A, %parallel_loop3A_522 : vector<16xi32>
      %parallel_loop3A_524 = arith.addi %parallel_loop3A_515, %parallel_loop3A_520 : vector<16xi32>
      %parallel_loop3A_525 = arith.select %parallel_loop3A_523, %parallel_loop3A_524, %parallel_loop3A_515 : vector<16xi1>, vector<16xi32>
      %parallel_loop3A_526 = arith.constant 1 : i32
      %parallel_loop3A_527 = vector.broadcast %parallel_loop3A_526 : i32 to vector<16xi32>
      %parallel_loop3A_528 = arith.cmpi eq, %parallel_loop3A_496, %parallel_loop3A_527 : vector<16xi32>
      %parallel_loop3A_529 = arith.andi %parallel_loop3A_493, %parallel_loop3A_528 : vector<16xi1>
      %parallel_loop3A_530 = tpu.all_reduce %parallel_loop3A_529 {dim = 0 : i64, kind = #tpu.reduction_kind<sum>} : vector<16xi1> -> vector<16xi32>
      %parallel_loop3A_531 = arith.constant 1 : i32
      %parallel_loop3A_532 = vector.broadcast %parallel_loop3A_531 : i32 to vector<16xi32>
      %parallel_loop3A_533 = arith.cmpi eq, %iota3A, %parallel_loop3A_532 : vector<16xi32>
      %parallel_loop3A_534 = arith.addi %parallel_loop3A_525, %parallel_loop3A_530 : vector<16xi32>
      %parallel_loop3A_535 = arith.select %parallel_loop3A_533, %parallel_loop3A_534, %parallel_loop3A_525 : vector<16xi1>, vector<16xi32>
      %parallel_loop3A_536 = arith.constant 2 : i32
      %parallel_loop3A_537 = vector.broadcast %parallel_loop3A_536 : i32 to vector<16xi32>
      %parallel_loop3A_538 = arith.cmpi eq, %parallel_loop3A_496, %parallel_loop3A_537 : vector<16xi32>
      %parallel_loop3A_539 = arith.andi %parallel_loop3A_493, %parallel_loop3A_538 : vector<16xi1>
      %parallel_loop3A_540 = tpu.all_reduce %parallel_loop3A_539 {dim = 0 : i64, kind = #tpu.reduction_kind<sum>} : vector<16xi1> -> vector<16xi32>
      %parallel_loop3A_541 = arith.constant 2 : i32
      %parallel_loop3A_542 = vector.broadcast %parallel_loop3A_541 : i32 to vector<16xi32>
      %parallel_loop3A_543 = arith.cmpi eq, %iota3A, %parallel_loop3A_542 : vector<16xi32>
      %parallel_loop3A_544 = arith.addi %parallel_loop3A_535, %parallel_loop3A_540 : vector<16xi32>
      %parallel_loop3A_545 = arith.select %parallel_loop3A_543, %parallel_loop3A_544, %parallel_loop3A_535 : vector<16xi1>, vector<16xi32>
      %parallel_loop3A_546 = arith.constant 3 : i32
      %parallel_loop3A_547 = vector.broadcast %parallel_loop3A_546 : i32 to vector<16xi32>
      %parallel_loop3A_548 = arith.cmpi eq, %parallel_loop3A_496, %parallel_loop3A_547 : vector<16xi32>
      %parallel_loop3A_549 = arith.andi %parallel_loop3A_493, %parallel_loop3A_548 : vector<16xi1>
      %parallel_loop3A_550 = tpu.all_reduce %parallel_loop3A_549 {dim = 0 : i64, kind = #tpu.reduction_kind<sum>} : vector<16xi1> -> vector<16xi32>
      %parallel_loop3A_551 = arith.constant 3 : i32
      %parallel_loop3A_552 = vector.broadcast %parallel_loop3A_551 : i32 to vector<16xi32>
      %parallel_loop3A_553 = arith.cmpi eq, %iota3A, %parallel_loop3A_552 : vector<16xi32>
      %parallel_loop3A_554 = arith.addi %parallel_loop3A_545, %parallel_loop3A_550 : vector<16xi32>
      %parallel_loop3A_555 = arith.select %parallel_loop3A_553, %parallel_loop3A_554, %parallel_loop3A_545 : vector<16xi1>, vector<16xi32>
      %parallel_loop3A_556 = arith.constant 4 : i32
      %parallel_loop3A_557 = vector.broadcast %parallel_loop3A_556 : i32 to vector<16xi32>
      %parallel_loop3A_558 = arith.cmpi eq, %parallel_loop3A_496, %parallel_loop3A_557 : vector<16xi32>
      %parallel_loop3A_559 = arith.andi %parallel_loop3A_493, %parallel_loop3A_558 : vector<16xi1>
      %parallel_loop3A_560 = tpu.all_reduce %parallel_loop3A_559 {dim = 0 : i64, kind = #tpu.reduction_kind<sum>} : vector<16xi1> -> vector<16xi32>
      %parallel_loop3A_561 = arith.constant 4 : i32
      %parallel_loop3A_562 = vector.broadcast %parallel_loop3A_561 : i32 to vector<16xi32>
      %parallel_loop3A_563 = arith.cmpi eq, %iota3A, %parallel_loop3A_562 : vector<16xi32>
      %parallel_loop3A_564 = arith.addi %parallel_loop3A_555, %parallel_loop3A_560 : vector<16xi32>
      %parallel_loop3A_565 = arith.select %parallel_loop3A_563, %parallel_loop3A_564, %parallel_loop3A_555 : vector<16xi1>, vector<16xi32>
      %parallel_loop3A_566 = arith.constant 5 : i32
      %parallel_loop3A_567 = vector.broadcast %parallel_loop3A_566 : i32 to vector<16xi32>
      %parallel_loop3A_568 = arith.cmpi eq, %parallel_loop3A_496, %parallel_loop3A_567 : vector<16xi32>
      %parallel_loop3A_569 = arith.andi %parallel_loop3A_493, %parallel_loop3A_568 : vector<16xi1>
      %parallel_loop3A_570 = tpu.all_reduce %parallel_loop3A_569 {dim = 0 : i64, kind = #tpu.reduction_kind<sum>} : vector<16xi1> -> vector<16xi32>
      %parallel_loop3A_571 = arith.constant 5 : i32
      %parallel_loop3A_572 = vector.broadcast %parallel_loop3A_571 : i32 to vector<16xi32>
      %parallel_loop3A_573 = arith.cmpi eq, %iota3A, %parallel_loop3A_572 : vector<16xi32>
      %parallel_loop3A_574 = arith.addi %parallel_loop3A_565, %parallel_loop3A_570 : vector<16xi32>
      %parallel_loop3A_575 = arith.select %parallel_loop3A_573, %parallel_loop3A_574, %parallel_loop3A_565 : vector<16xi1>, vector<16xi32>
      %parallel_loop3A_576 = arith.constant 6 : i32
      %parallel_loop3A_577 = vector.broadcast %parallel_loop3A_576 : i32 to vector<16xi32>
      %parallel_loop3A_578 = arith.cmpi eq, %parallel_loop3A_496, %parallel_loop3A_577 : vector<16xi32>
      %parallel_loop3A_579 = arith.andi %parallel_loop3A_493, %parallel_loop3A_578 : vector<16xi1>
      %parallel_loop3A_580 = tpu.all_reduce %parallel_loop3A_579 {dim = 0 : i64, kind = #tpu.reduction_kind<sum>} : vector<16xi1> -> vector<16xi32>
      %parallel_loop3A_581 = arith.constant 6 : i32
      %parallel_loop3A_582 = vector.broadcast %parallel_loop3A_581 : i32 to vector<16xi32>
      %parallel_loop3A_583 = arith.cmpi eq, %iota3A, %parallel_loop3A_582 : vector<16xi32>
      %parallel_loop3A_584 = arith.addi %parallel_loop3A_575, %parallel_loop3A_580 : vector<16xi32>
      %parallel_loop3A_585 = arith.select %parallel_loop3A_583, %parallel_loop3A_584, %parallel_loop3A_575 : vector<16xi1>, vector<16xi32>
      %parallel_loop3A_586 = arith.constant 7 : i32
      %parallel_loop3A_587 = vector.broadcast %parallel_loop3A_586 : i32 to vector<16xi32>
      %parallel_loop3A_588 = arith.cmpi eq, %parallel_loop3A_496, %parallel_loop3A_587 : vector<16xi32>
      %parallel_loop3A_589 = arith.andi %parallel_loop3A_493, %parallel_loop3A_588 : vector<16xi1>
      %parallel_loop3A_590 = tpu.all_reduce %parallel_loop3A_589 {dim = 0 : i64, kind = #tpu.reduction_kind<sum>} : vector<16xi1> -> vector<16xi32>
      %parallel_loop3A_591 = arith.constant 7 : i32
      %parallel_loop3A_592 = vector.broadcast %parallel_loop3A_591 : i32 to vector<16xi32>
      %parallel_loop3A_593 = arith.cmpi eq, %iota3A, %parallel_loop3A_592 : vector<16xi32>
      %parallel_loop3A_594 = arith.addi %parallel_loop3A_585, %parallel_loop3A_590 : vector<16xi32>
      %parallel_loop3A_595 = arith.select %parallel_loop3A_593, %parallel_loop3A_594, %parallel_loop3A_585 : vector<16xi1>, vector<16xi32>
      %parallel_loop3A_596 = arith.addi %parallel_loop3A_481, %parallel_loop3A_595 : vector<16xi32>
      scf.yield %parallel_loop3A_596 : vector<16xi32>
    } {sc.loop_unroll_factor = 1 : i64, sc.parallel_access}
    %swap3A_451 = arith.constant 0 : index
    %swap3A_452 = tpu.vector_load %arg6[%swap3A_451] {strides = array<i32>} : memref<32xi32, #tpu.memory_space<vmem>>, vector<16xi32>,
    tpu.vector_store %arg6[%swap3A_451], %parallel_loop3A_450 {strides = array<i32>} : memref<32xi32, #tpu.memory_space<vmem>>, vector<16xi32>,
    %broadcast_in_dim3A_453 = arith.constant -1.000000e+30 : f32
    %broadcast_in_dim3A_454 = vector.broadcast %broadcast_in_dim3A_453 : f32 to vector<16xf32>
    %broadcast_in_dim3A_455 = arith.constant 0.000000e+00 : f32
    %broadcast_in_dim3A_456 = vector.broadcast %broadcast_in_dim3A_455 : f32 to vector<16xf32>
    %scan3A = arith.constant 0 : i32
    %scan3A_457 = arith.constant 0 : i32
    %scan3A_458 = arith.constant 4 : i32
    %scan3A_459 = arith.addi %scan3A_457, %scan3A_458 : i32
    %scan3A_460 = arith.constant 1 : i32
    %scan3A_461:2 = scf.for %scan3A_480 = %scan3A_457 to %scan3A_459 step %scan3A_460 iter_args(%scan3A_481 = %broadcast_in_dim3A_456, %scan3A_482 = %scan3A) -> (vector<16xf32>, i32)  : i32 {
      %mul3A_483 = arith.constant 2 : i32
      %mul3A_484 = arith.muli %mul3A_483, %scan3A_480 : i32
      %get3A = arith.index_cast %mul3A_484 : i32 to index
      %get3A_485 = tpu.vector_load %arg6[%get3A] {strides = array<i32>} : memref<32xi32, #tpu.memory_space<vmem>>, vector<16xi32>,
      %slice3A = vector.extract_strided_slice %get3A_485 {offsets = [0], sizes = [1], strides = [1]} : vector<16xi32> to vector<1xi32>
      %squeeze3A = vector.extract %slice3A[0] : i32 from vector<1xi32>
      %slice3A_486 = vector.extract_strided_slice %get3A_485 {offsets = [1], sizes = [1], strides = [1]} : vector<16xi32> to vector<1xi32>
      %squeeze3A_487 = vector.extract %slice3A_486[0] : i32 from vector<1xi32>
      %mul3A_488 = arith.constant 2 : i32
      %mul3A_489 = arith.muli %mul3A_488, %scan3A_480 : i32
      %mul3A_490 = arith.constant 4144 : i32
      %mul3A_491 = arith.muli %mul3A_489, %mul3A_490 : i32
      %add3A_492 = arith.constant 4144 : i32
      %add3A_493 = arith.addi %mul3A_491, %add3A_492 : i32
      %add3A_494 = arith.addi %mul3A_491, %squeeze3A : i32
      %add3A_495 = arith.constant 0 : i32
      %add3A_496 = arith.addi %add3A_494, %add3A_495 : i32
      %swap3A_497 = arith.index_cast %add3A_496 : i32 to index
      %swap3A_498 = tpu.vector_load %arg7[%swap3A_497] {strides = array<i32>} : memref<33152xf32, #tpu.memory_space<vmem>>, vector<16xf32>,
      tpu.vector_store %arg7[%swap3A_497], %broadcast_in_dim3A_454 {strides = array<i32>} : memref<33152xf32, #tpu.memory_space<vmem>>, vector<16xf32>,
      %add3A_499 = arith.addi %mul3A_491, %squeeze3A : i32
      %add3A_500 = arith.constant 16 : i32
      %add3A_501 = arith.addi %add3A_499, %add3A_500 : i32
      %swap3A_502 = arith.index_cast %add3A_501 : i32 to index
      %swap3A_503 = tpu.vector_load %arg7[%swap3A_502] {strides = array<i32>} : memref<33152xf32, #tpu.memory_space<vmem>>, vector<16xf32>,
      tpu.vector_store %arg7[%swap3A_502], %broadcast_in_dim3A_454 {strides = array<i32>} : memref<33152xf32, #tpu.memory_space<vmem>>, vector<16xf32>,
      %add3A_504 = arith.addi %mul3A_491, %squeeze3A : i32
      %add3A_505 = arith.constant 32 : i32
      %add3A_506 = arith.addi %add3A_504, %add3A_505 : i32
      %swap3A_507 = arith.index_cast %add3A_506 : i32 to index
      %swap3A_508 = tpu.vector_load %arg7[%swap3A_507] {strides = array<i32>} : memref<33152xf32, #tpu.memory_space<vmem>>, vector<16xf32>,
      tpu.vector_store %arg7[%swap3A_507], %broadcast_in_dim3A_454 {strides = array<i32>} : memref<33152xf32, #tpu.memory_space<vmem>>, vector<16xf32>,
      %mul3A_509 = arith.muli %squeeze3A_487, %squeeze3A : i32
      %add3A_510 = arith.addi %scan3A_482, %mul3A_509 : i32
      %add3A_511 = arith.constant 15 : i32
      %add3A_512 = arith.addi %squeeze3A, %add3A_511 : i32
      %jit3A_513 = arith.constant 16 : i32
      %div3A = arith.divsi %add3A_512, %jit3A_513 : i32
      %sign3A = arith.constant 0 : i32
      %sign3A_514 = arith.cmpi sgt, %add3A_512, %sign3A : i32
      %sign3A_515 = arith.extui %sign3A_514 : i1 to i32
      %sign3A_516 = arith.constant 0 : i32
      %sign3A_517 = arith.cmpi slt, %add3A_512, %sign3A_516 : i32
      %sign3A_518 = arith.extui %sign3A_517 : i1 to i32
      %sign3A_519 = arith.subi %sign3A_515, %sign3A_518 : i32
      %sign3A_520 = arith.constant 0 : i32
      %sign3A_521 = arith.cmpi sgt, %jit3A_513, %sign3A_520 : i32
      %sign3A_522 = arith.extui %sign3A_521 : i1 to i32
      %sign3A_523 = arith.constant 0 : i32
      %sign3A_524 = arith.cmpi slt, %jit3A_513, %sign3A_523 : i32
      %sign3A_525 = arith.extui %sign3A_524 : i1 to i32
      %sign3A_526 = arith.subi %sign3A_522, %sign3A_525 : i32
      %ne3A_527 = arith.cmpi ne, %sign3A_519, %sign3A_526 : i32
      %rem3A_528 = arith.remsi %add3A_512, %jit3A_513 : i32
      %ne3A_529 = arith.constant 0 : i32
      %ne3A_530 = arith.cmpi ne, %rem3A_528, %ne3A_529 : i32
      %and3A_531 = arith.andi %ne3A_527, %ne3A_530 : i1
      %sub3A = arith.constant 1 : i32
      %sub3A_532 = arith.subi %div3A, %sub3A : i32
      %select_n3A_533 = arith.select %and3A_531, %sub3A_532, %div3A : i32
      %parallel_loop3A_534 = arith.constant 0 : i32
      %parallel_loop3A_535 = arith.constant 1 : i32
      %parallel_loop3A_536 = scf.for %parallel_loop3A_537 = %parallel_loop3A_534 to %squeeze3A_487 step %parallel_loop3A_535 iter_args(%parallel_loop3A_538 = %scan3A_481) -> (vector<16xf32>)  : i32 {
        %parallel_loop3A_539 = arith.addi %add3A_493, %parallel_loop3A_537 : i32
        %parallel_loop3A_540 = arith.index_cast %parallel_loop3A_539 : i32 to index
        %parallel_loop3A_541 = tpu.vector_load %arg7[%parallel_loop3A_540] {strides = array<i32>} : memref<33152xf32, #tpu.memory_space<vmem>>, vector<16xf32>,
        %parallel_loop3A_542 = vector.extract_strided_slice %parallel_loop3A_541 {offsets = [0], sizes = [1], strides = [1]} : vector<16xf32> to vector<1xf32>
        %parallel_loop3A_543 = vector.extract %parallel_loop3A_542[0] : f32 from vector<1xf32>
        %parallel_loop3A_544 = arith.constant 1.000000e+00 : f32
        %parallel_loop3A_545 = arith.subf %parallel_loop3A_544, %parallel_loop3A_543 : f32
        %parallel_loop3A_546 = arith.constant 0 : i32
        %parallel_loop3A_547 = arith.addi %mul3A_491, %parallel_loop3A_546 : i32
        %parallel_loop3A_548 = arith.index_cast %parallel_loop3A_547 : i32 to index
        %parallel_loop3A_549 = tpu.vector_load %arg7[%parallel_loop3A_548] {strides = array<i32>} : memref<33152xf32, #tpu.memory_space<vmem>>, vector<16xf32>,
        %parallel_loop3A_550 = vector.broadcast %parallel_loop3A_545 : f32 to vector<16xf32>
        %parallel_loop3A_551 = arith.addf %parallel_loop3A_550, %parallel_loop3A_549 : vector<16xf32>
        %parallel_loop3A_552 = arith.constant 0.000000e+00 : f32
        %parallel_loop3A_553 = vector.broadcast %parallel_loop3A_552 : f32 to vector<16xf32>
        %parallel_loop3A_554 = arith.maximumf %parallel_loop3A_551, %parallel_loop3A_553 : vector<16xf32>
        %parallel_loop3A_555 = arith.addf %parallel_loop3A_538, %parallel_loop3A_554 : vector<16xf32>
        %parallel_loop3A_556 = arith.constant 16 : i32
        %parallel_loop3A_557 = arith.addi %mul3A_491, %parallel_loop3A_556 : i32
        %parallel_loop3A_558 = arith.index_cast %parallel_loop3A_557 : i32 to index
        %parallel_loop3A_559 = tpu.vector_load %arg7[%parallel_loop3A_558] {strides = array<i32>} : memref<33152xf32, #tpu.memory_space<vmem>>, vector<16xf32>,
        %parallel_loop3A_560 = vector.broadcast %parallel_loop3A_545 : f32 to vector<16xf32>
        %parallel_loop3A_561 = arith.addf %parallel_loop3A_560, %parallel_loop3A_559 : vector<16xf32>
        %parallel_loop3A_562 = arith.constant 0.000000e+00 : f32
        %parallel_loop3A_563 = vector.broadcast %parallel_loop3A_562 : f32 to vector<16xf32>
        %parallel_loop3A_564 = arith.maximumf %parallel_loop3A_561, %parallel_loop3A_563 : vector<16xf32>
        %parallel_loop3A_565 = arith.addf %parallel_loop3A_555, %parallel_loop3A_564 : vector<16xf32>
        %parallel_loop3A_566 = arith.constant 32 : i32
        %parallel_loop3A_567 = arith.addi %mul3A_491, %parallel_loop3A_566 : i32
        %parallel_loop3A_568 = arith.index_cast %parallel_loop3A_567 : i32 to index
        %parallel_loop3A_569 = tpu.vector_load %arg7[%parallel_loop3A_568] {strides = array<i32>} : memref<33152xf32, #tpu.memory_space<vmem>>, vector<16xf32>,
        %parallel_loop3A_570 = vector.broadcast %parallel_loop3A_545 : f32 to vector<16xf32>
        %parallel_loop3A_571 = arith.addf %parallel_loop3A_570, %parallel_loop3A_569 : vector<16xf32>
        %parallel_loop3A_572 = arith.constant 0.000000e+00 : f32
        %parallel_loop3A_573 = vector.broadcast %parallel_loop3A_572 : f32 to vector<16xf32>
        %parallel_loop3A_574 = arith.maximumf %parallel_loop3A_571, %parallel_loop3A_573 : vector<16xf32>
        %parallel_loop3A_575 = arith.addf %parallel_loop3A_565, %parallel_loop3A_574 : vector<16xf32>
        %parallel_loop3A_576 = arith.constant 3 : i32
        %parallel_loop3A_577 = arith.subi %select_n3A_533, %parallel_loop3A_576 : i32
        %parallel_loop3A_578 = arith.addi %parallel_loop3A_576, %parallel_loop3A_577 : i32
        %parallel_loop3A_579 = arith.constant 1 : i32
        %parallel_loop3A_580 = arith.divsi %parallel_loop3A_577, %parallel_loop3A_579 : i32
        %parallel_loop3A_581 = arith.muli %parallel_loop3A_580, %parallel_loop3A_579 : i32
        %parallel_loop3A_582 = arith.addi %parallel_loop3A_576, %parallel_loop3A_581 : i32
        %parallel_loop3A_583 = arith.constant 1 : i32
        %parallel_loop3A_584 = scf.for %while3A = %parallel_loop3A_576 to %parallel_loop3A_582 step %parallel_loop3A_583 iter_args(%while3A_587 = %parallel_loop3A_575) -> (vector<16xf32>)  : i32 {
          %parallel_loop3A_588 = arith.constant 16 : i32
          %parallel_loop3A_589 = arith.muli %while3A, %parallel_loop3A_588 : i32
          %parallel_loop3A_590 = arith.addi %mul3A_491, %parallel_loop3A_589 : i32
          %parallel_loop3A_591 = arith.index_cast %parallel_loop3A_590 : i32 to index
          %parallel_loop3A_592 = tpu.vector_load %arg7[%parallel_loop3A_591] {strides = array<i32>} : memref<33152xf32, #tpu.memory_space<vmem>>, vector<16xf32>,
          %parallel_loop3A_593 = vector.broadcast %parallel_loop3A_545 : f32 to vector<16xf32>
          %parallel_loop3A_594 = arith.addf %parallel_loop3A_593, %parallel_loop3A_592 : vector<16xf32>
          %parallel_loop3A_595 = arith.constant 0.000000e+00 : f32
          %parallel_loop3A_596 = vector.broadcast %parallel_loop3A_595 : f32 to vector<16xf32>
          %parallel_loop3A_597 = arith.maximumf %parallel_loop3A_594, %parallel_loop3A_596 : vector<16xf32>
          %parallel_loop3A_598 = arith.addf %while3A_587, %parallel_loop3A_597 : vector<16xf32>
          scf.yield %parallel_loop3A_598 : vector<16xf32>
        }
        %parallel_loop3A_585 = arith.constant 1 : i32
        %parallel_loop3A_586 = scf.for %while3A = %parallel_loop3A_582 to %parallel_loop3A_578 step %parallel_loop3A_585 iter_args(%while3A_587 = %parallel_loop3A_584) -> (vector<16xf32>)  : i32 {
          %parallel_loop3A_588 = arith.constant 16 : i32
          %parallel_loop3A_589 = arith.muli %while3A, %parallel_loop3A_588 : i32
          %parallel_loop3A_590 = arith.addi %mul3A_491, %parallel_loop3A_589 : i32
          %parallel_loop3A_591 = arith.index_cast %parallel_loop3A_590 : i32 to index
          %parallel_loop3A_592 = tpu.vector_load %arg7[%parallel_loop3A_591] {strides = array<i32>} : memref<33152xf32, #tpu.memory_space<vmem>>, vector<16xf32>,
          %parallel_loop3A_593 = vector.broadcast %parallel_loop3A_545 : f32 to vector<16xf32>
          %parallel_loop3A_594 = arith.addf %parallel_loop3A_593, %parallel_loop3A_592 : vector<16xf32>
          %parallel_loop3A_595 = arith.constant 0.000000e+00 : f32
          %parallel_loop3A_596 = vector.broadcast %parallel_loop3A_595 : f32 to vector<16xf32>
          %parallel_loop3A_597 = arith.maximumf %parallel_loop3A_594, %parallel_loop3A_596 : vector<16xf32>
          %parallel_loop3A_598 = arith.addf %while3A_587, %parallel_loop3A_597 : vector<16xf32>
          scf.yield %parallel_loop3A_598 : vector<16xf32>
        }
        scf.yield %parallel_loop3A_586 : vector<16xf32>
      } {sc.loop_unroll_factor = 1 : i64, sc.parallel_access}
      scf.yield %parallel_loop3A_536, %add3A_510 : vector<16xf32>, i32
    }
    %scan3A_462 = arith.constant 4 : i32
    %reduce_sum3A = arith.constant true
    %reduce_sum3A_463 = vector.broadcast %reduce_sum3A : i1 to vector<16xi1>
    %reduce_sum3A_464 = tpu.scan <sum>, %scan3A_461#0 masked %reduce_sum3A_463 : vector<16xf32>, vector<16xi1> -> vector<16xf32>
    %reduce_sum3A_465 = vector.extract %reduce_sum3A_464[15] : f32 from vector<16xf32>
    %eq3A_466 = arith.constant 0 : i32
    %eq3A_467 = vector.broadcast %eq3A_466 : i32 to vector<16xi32>
    %eq3A_468 = arith.cmpi eq, %iota3A, %eq3A_467 : vector<16xi32>
    %eq3A_469 = arith.constant 1 : i32
    %eq3A_470 = vector.broadcast %eq3A_469 : i32 to vector<16xi32>
    %eq3A_471 = arith.cmpi eq, %iota3A, %eq3A_470 : vector<16xi32>
    %convert_element_type3A = arith.sitofp %scan3A_461#1 : i32 to f32
    %jit3A_472 = arith.constant 0.000000e+00 : f32
    %broadcast_in_dim3A_473 = vector.broadcast %convert_element_type3A : f32 to vector<16xf32>
    %broadcast_in_dim3A_474 = vector.broadcast %jit3A_472 : f32 to vector<16xf32>
    %select_n3A_475 = arith.select %eq3A_471, %broadcast_in_dim3A_473, %broadcast_in_dim3A_474 : vector<16xi1>, vector<16xf32>
    %broadcast_in_dim3A_476 = vector.broadcast %reduce_sum3A_465 : f32 to vector<16xf32>
    %select_n3A_477 = arith.select %eq3A_468, %broadcast_in_dim3A_476, %select_n3A_475 : vector<16xi1>, vector<16xf32>
    %swap3A_478 = arith.constant 0 : index
    %swap3A_479 = tpu.vector_load %arg5[%swap3A_478] {strides = array<i32>} : memref<16xf32, #tpu.memory_space<vmem>>, vector<16xf32>,
    tpu.vector_store %arg5[%swap3A_478], %select_n3A_477 {strides = array<i32>} : memref<16xf32, #tpu.memory_space<vmem>>, vector<16xf32>,
    "tpu.region"() ({
      %run_scoped3A = tpu.sem_alloc : memref<!tpu.dma_semaphore, #tpu.memory_space<semaphore_mem>>
      %dma_start3A_480 = arith.constant 0 : i32
      %dma_start3A_481 = tpu.memref_slice %arg3[%add3A, %dma_start3A_480] : memref<32x16xf32, #tpu.memory_space<hbm>> -> memref<1x16xf32, #tpu.memory_space<hbm>>
      %dma_start3A_482 = tpu.memref_squeeze %dma_start3A_481 : memref<1x16xf32, #tpu.memory_space<hbm>> -> memref<16xf32, #tpu.memory_space<hbm>>
      %dma_start3A_483 = arith.constant 0 : i32
      %dma_start3A_484 = tpu.memref_slice %arg3[%add3A, %dma_start3A_483] : memref<32x16xf32, #tpu.memory_space<hbm>> -> memref<1x16xf32, #tpu.memory_space<hbm>>
      %dma_start3A_485 = tpu.memref_squeeze %dma_start3A_484 : memref<1x16xf32, #tpu.memory_space<hbm>> -> memref<16xf32, #tpu.memory_space<hbm>>
      tpu.enqueue_dma source(%arg5 : memref<16xf32, #tpu.memory_space<vmem>>) target(%dma_start3A_485 : memref<16xf32, #tpu.memory_space<hbm>>) target_semaphore(%run_scoped3A : memref<!tpu.dma_semaphore, #tpu.memory_space<semaphore_mem>>)
      %dma_wait3A_486 = arith.constant 0 : i32
      %dma_wait3A_487 = tpu.memref_slice %arg3[%add3A, %dma_wait3A_486] : memref<32x16xf32, #tpu.memory_space<hbm>> -> memref<1x16xf32, #tpu.memory_space<hbm>>
      %dma_wait3A_488 = tpu.memref_squeeze %dma_wait3A_487 : memref<1x16xf32, #tpu.memory_space<hbm>> -> memref<16xf32, #tpu.memory_space<hbm>>
      %dma_wait3A_489 = arith.constant 0 : i32
      %dma_wait3A_490 = tpu.memref_slice %arg3[%add3A, %dma_wait3A_489] : memref<32x16xf32, #tpu.memory_space<hbm>> -> memref<1x16xf32, #tpu.memory_space<hbm>>
      %dma_wait3A_491 = tpu.memref_squeeze %dma_wait3A_490 : memref<1x16xf32, #tpu.memory_space<hbm>> -> memref<16xf32, #tpu.memory_space<hbm>>
      tpu.wait_dma2 semaphore(%run_scoped3A : memref<!tpu.dma_semaphore, #tpu.memory_space<semaphore_mem>>) src(%arg5 : memref<16xf32, #tpu.memory_space<vmem>>) dst(%dma_wait3A_491 : memref<16xf32, #tpu.memory_space<hbm>>)
      tpu.yield
    }) : () -> ()
    return
  }
}

</mosaic_0001>

<sc_bundles>
// kernel: _pairwise_loss_sc.3.cloned.1.call-start
scs
__scs_entry_jumppad:
0x0: {  	(pc) =	sbr.rel $0x88, $3  }
0x1: {  	(tag) =	ssettag $0x0;
	lr =	simm.s32 $0x1  }
0x2: {  	[smem:$0x3FA0] =	sst lr;
	_ =	strace $0xD0000000  }
0x3: {  	_ = 	snop  }
0x4: {  	_ = 	snop  }
0x5: {  	_ = 	snop  }
0x6: {  	_ = 	snop  }
0x7: {  	_ = 	snop  }
__scs_overlays_trampoline_lowered:
0x8: {  	[smem:$0x3FAF] =	sst s0  }
0x9: {  	[smem:$0x3FB0] =	sst s1  }
0xa: {  	[smem:$0x3FB1] =	sst s2  }
0xb: {  	[smem:$0x3FB2] =	sst s3  }
0xc: {  	[smem:$0x3FB3] =	sst s4  }
0xd: {  	[smem:$0x3FB4] =	sst s5  }
0xe: {  	[smem:$0x3FB5] =	sst s6  }
0xf: {  	[smem:$0x3FB6] =	sst s7  }
0x10: {  	[smem:$0x3FB7] =	sst s8  }
0x11: {  	[smem:$0x3FB8] =	sst s9;
	s0 =	simm.s32 @!p0 $0x0  }
0x12: {  	s1 =	sld [smem:$0x3F9E];
	s0 =	simm.s32 @p0 $0x1  }
0x13: {  	[smem:$0x3FB9] =	sst s0;
	s0 =	simm.s32 @!p1 $0x0  }
0x14: {  	s2 =	sld [smem:$0x3F9D];
	s0 =	simm.s32 @p1 $0x1  }
0x15: {  	[smem:$0x3FBA] =	sst s0;
	s0 =	simm.s32 @!p2 $0x0  }
0x16: {  	s3 =	sld [smem:$0x3FDB];
	s0 =	simm.s32 @p2 $0x1  }
0x17: {  	s4 =	simm.s32 $0x1BF5;
	[smem:$0x3FBC] =	sst s0  }
0x18: {  	s0 =	sld [smem:$0x3F9F];
	_ =	swait.ge [sflag:s4], $0x0  }
0x19: {  	s7 =	sld [smem:$0x3FA0]  }
0x1a: {  	s8 =	sadd.s32 $0xFFFFE003, lr  }
0x1b: {  	s9 =	sadd.s32 $0xFFFFFEF7, lr;
	s5 =	simm.s32 $0xFFFFFFFF;
	p2 =	slt.u32 s8, $0xFFFFF086  }
0x1c: {  	p1 =	slt.u32 s9, $0xF7A;
	s5 =	simm.s32 @!p2 $0x0  }
0x1d: {  	s5 =	simm.s32 @p1 $0x1;
	p0 =	seq.s32 s7, s2  }
0x1e: {  	s7 =	smul.u32 @!p0 $0xF7A, s2;
	p2 =	seq.s32 @!p0 s5, $0x0  }
0x1f: {  	s9 =	smul.u32 $0xF7A, s1;
	s8 =	simm.s32 @!p0 $0x1BF5;
	p2 =	por !p2, p0  }
0x20: {  	[sflag:s8] =	ssyncset.s32 @!p0 $0xFFFFF086;
	s6 =	sadd.s32 @!p0 s3, s7;
	s7 =	simm.s32 @!p0 $0x108  }
0x21: {  	s3 =	sadd.s32 s3, s9;
	s6 =	sadd.s32 @!p0 $0x88, s6;
	s7 =	simm.s32 @p2 $0x1082  }
0x22: {  	[simem:s7], [sflag:s8] =	dma.local @!p0 [hbm:s6], $0xF7A  }
0x23: {  	s9 =	sor.u32 $0xD0000000, s2;
	s6 =	simm.s32 $0x108;
	_ =	swait.ge @!p0 [sflag:s8], $0x0  }
0x24: {  	s3 =	sadd.s32 $0x88, s3;
	s6 =	simm.s32 @!p1 $0x1082;
	[sflag:s4] =	ssyncset.s32 $0xFFFFF086  }
0x25: {  	[simem:s6], [sflag:s4] =	dma.local [hbm:s3], $0xF7A  }
0x26: {  	[smem:$0x3FA0] =	sst s1;
	(tag) =	ssettag s2;
	_ =	strace s9  }
0x27: {  	s1 =	sld [smem:$0x3FB0]  }
0x28: {  	s2 =	sld [smem:$0x3FB1]  }
0x29: {  	s4 =	sld [smem:$0x3FB3]  }
0x2a: {  	p0 =	seq.s32 s5, $0x0;
	s5 =	sld [smem:$0x3FB4]  }
0x2b: {  	s6 =	sld [smem:$0x3FB5]  }
0x2c: {  	s7 =	sld [smem:$0x3FB6]  }
0x2d: {  	s3 =	simm.s32 $0x108;
	s8 =	sld [smem:$0x3FB7]  }
0x2e: {  	s3 =	simm.s32 @!p0 $0x1082;
	s9 =	sld [smem:$0x3FB8]  }
0x2f: {  	lr =	sadd.s32 s0, s3;
	s0 =	sld [smem:$0x3FAF]  }
0x30: {  	s3 =	sld [smem:$0x3FB2]  }
0x31: {  	[smem:$0x3FBB] =	sst s10  }
0x32: {  	s10 =	sld [smem:$0x3FB9];
	_ =	sdelay $0x3  }
0x33: {  	p0 =	seq.s32 s10, $0x1;
	s10 =	sld [smem:$0x3FBB];
	_ =	sdelay $0x3  }
0x34: {  	[smem:$0x3FBB] =	sst s10  }
0x35: {  	s10 =	sld [smem:$0x3FBA];
	_ =	sdelay $0x3  }
0x36: {  	p1 =	seq.s32 s10, $0x1;
	s10 =	sld [smem:$0x3FBB];
	_ =	sdelay $0x3  }
0x37: {  	[smem:$0x3FBB] =	sst s10  }
0x38: {  	s10 =	sld [smem:$0x3FBC]  }
0x39: {  	_ = 	snop;
	(pc) =	sbr.ind lr, $3  }
0x3a: {  	_ = 	snop  }
0x3b: {  	_ = 	snop  }
0x3c: {  	p2 =	seq.s32 s10, $0x1;
	s10 =	sld [smem:$0x3FBB]  }
0x3d: {  	_ =	shalt  }
0x3e: {  	_ =	shalt  }
0x3f: {  	_ =	shalt  }
0x40: {  	_ =	shalt  }
0x41: {  	_ =	shalt  }
0x42: {  	_ =	shalt  }
0x43: {  	_ =	shalt  }
0x44: {  	_ =	shalt  }
0x45: {  	_ =	shalt  }
0x46: {  	_ =	shalt  }
0x47: {  	_ =	shalt  }
0x48: {  	_ =	shalt  }
0x49: {  	_ =	shalt  }
0x4a: {  	_ =	shalt  }
0x4b: {  	_ =	shalt  }
0x4c: {  	_ =	shalt  }
0x4d: {  	_ =	shalt  }
0x4e: {  	_ =	shalt  }
0x4f: {  	_ =	shalt  }
0x50: {  	_ =	shalt  }
0x51: {  	_ =	shalt  }
0x52: {  	_ =	shalt  }
0x53: {  	_ =	shalt  }
0x54: {  	_ =	shalt  }
0x55: {  	_ =	shalt  }
0x56: {  	_ =	shalt  }
0x57: {  	_ =	shalt  }
0x58: {  	_ =	shalt  }
0x59: {  	_ =	shalt  }
0x5a: {  	_ =	shalt  }
0x5b: {  	_ =	shalt  }
0x5c: {  	_ =	shalt  }
0x5d: {  	_ =	shalt  }
0x5e: {  	_ =	shalt  }
0x5f: {  	_ =	shalt  }
0x60: {  	_ =	shalt  }
0x61: {  	_ =	shalt  }
0x62: {  	_ =	shalt  }
0x63: {  	_ =	shalt  }
0x64: {  	_ =	shalt  }
0x65: {  	_ =	shalt  }
0x66: {  	_ =	shalt  }
0x67: {  	_ =	shalt  }
0x68: {  	_ =	shalt  }
0x69: {  	_ =	shalt  }
0x6a: {  	_ =	shalt  }
0x6b: {  	_ =	shalt  }
0x6c: {  	_ =	shalt  }
0x6d: {  	_ =	shalt  }
0x6e: {  	_ =	shalt  }
0x6f: {  	_ =	shalt  }
0x70: {  	_ =	shalt  }
0x71: {  	_ =	shalt  }
0x72: {  	_ =	shalt  }
0x73: {  	_ =	shalt  }
0x74: {  	_ =	shalt  }
0x75: {  	_ =	shalt  }
0x76: {  	_ =	shalt  }
0x77: {  	_ =	shalt  }
0x78: {  	_ =	shalt  }
0x79: {  	_ =	shalt  }
0x7a: {  	_ =	shalt  }
0x7b: {  	_ =	shalt  }
0x7c: {  	_ =	shalt  }
0x7d: {  	_ =	shalt  }
0x7e: {  	_ =	shalt  }
0x7f: {  	_ =	shalt  }
0x80: {  	_ =	shalt  }
0x81: {  	_ =	shalt  }
0x82: {  	_ =	shalt  }
0x83: {  	_ =	shalt  }
0x84: {  	_ =	shalt  }
0x85: {  	_ =	shalt  }
0x86: {  	_ =	shalt  }
0x87: {  	_ =	shalt  }
.Lfunc_end0:
.L_simem_size_0:
called_computation_lowered:
.L_overlay_start_0:
0x88: {  	s2 =	sld [smem:$0x3FD9]  }
0x89: {  	s3 =	sld [smem:$0x3FFE];
	_ =	sdelay $0x1  }
0x8a: {  	s1 =	srdreg.scid  }
0x8b: {  	s0 =	sand.u32 $0x1, s1  }
0x8c: {  	s17 =	sshll.u32 s0, $0xA;
	s2 =	sadd.s32 s3, s2  }
0x8d: {  	s2 =	sadd.s32 s2, s17  }
0x8e: {  	[smem:$0x3FC7] =	sst s2  }
0x8f: {  	_ = 	snop  }
0x90: {  	s2 =	sld [smem:$0x3FC9];
	(tm) =	ssettm $0x1  }
0x91: {  	s18 =	sld [smem:$0x3FFB];
	_ =	sdelay $0x3  }
0x92: {  	_ =	strace s18  }
0x93: {  	s3 =	sld [smem:$0x3FFC];
	_ =	sdelay $0x3  }
0x94: {  	_ =	strace s3  }
0x95: {  	s3 =	sld [smem:$0x3FFD];
	_ =	sdelay $0x3  }
0x96: {  	_ =	strace s3  }
0x97: {  	_ =	strace $0x8FFFFFFF  }
0x98: {  	s19 =	sld [smem:$0x3FDB];
	_ =	sdelay $0x1  }
0x99: {  	s4 =	simm.s32 $_scs_section_size  }
0x9a: {  	s5 =	simm.s32 $_size__tile_overlayer_lowered;
	s6 =	simm.s32 $_tile_overlayer_lowered  }
0x9b: {  	s22 =	simm.s32 $0x1BFF;
	s21 =	sshll.u32 s6, $0x1;
	s3 =	sadd.s32 s4, s19  }
0x9c: {  	s7 =	simm.s32 $0x0;
	s20 =	sshll.u32 s5, $0x1;
	s5 =	sadd.s32 s21, s3  }
0x9d: {  	[timem:s7], [sflag:s22] =	dma.local [hbm:s5], s20  }
0x9e: {  	_ =	swait.ge [sflag:s22], s20  }
0x9f: {  	s4 =	ssub.s32 $0x0, s20;
	[sflag:s22] =	ssyncset.done $0x0  }
0xa0: {  	[sflag:s22] =	ssyncadd.s32 s4;
	_ =	sdelay $0x1  }
0xa1: {  	s23 =	simm.s32 $0x1B8B  }
0xa2: {  	_ =	swait.ge [sflag:s23], $0x1  }
0xa3: {  	[sflag:s23] =	ssyncset.done $0x0  }
0xa4: {  	s25 =	simm.s32 $0x1B8E;
	s24 =	sld [smem:$0x3FFE];
	[sflag:s23] =	ssyncadd.s32 $0xFFFFFFFF  }
0xa5: {  	s26 =	simm.s32 $execute0_lowered;
	[smem:$0x3FD2] =	sst s25  }
0xa6: {  	s5 =	sshll.u32 s26, $0x1;
	_ =	strace $0x80000046;
	[dreg:$0x1] =	wrdreg $0xFFFFFFFF  }
0xa7: {  	s28 =	simm.s32 $_size_execute0_lowered;
	s3 =	sadd.s32 s3, s5;
	[dreg:$0x0] =	wrdreg $0x0  }
0xa8: {  	s5 =	sshll.u32 s28, $0x1;
	[dreg:$0x2] =	wrdreg s3  }
0xa9: {  	[dreg:$0x3] =	wrdreg s5  }
0xaa: {  	[dreg:$0x4] =	wrdreg $0xC0  }
0xab: {  	_ =	task [dreg:s7], $0x5FFFF  }
0xac: {  	[dreg:$0x1] =	wrdreg $0xFFFFFFFF  }
0xad: {  	[dreg:$0x0] =	wrdreg $0x60  }
0xae: {  	[dreg:$0x2] =	wrdreg s2  }
0xaf: {  	[dreg:$0x3] =	wrdreg s24  }
0xb0: {  	[dreg:$0x4] =	wrdreg $0x9  }
0xb1: {  	_ =	task.clear_ibuf [dreg:s7], $0x5FFFF;
	_ =	strace $0x90000046  }
0xb2: {  	s29 =	simm.s32 $0x9;
	_ =	strace $0x80000048  }
0xb3: {  	_ =	swait.ge [sflag:s29], $0x1  }
0xb4: {  	[sflag:s29] =	ssyncadd.s32 $0xFFFFFFFF  }
0xb5: {  	_ =	strace $0x90000048  }
0xb6: {  	_ =	sfence  }
0xb7: {  	s30 =	sld [smem:$0x0];
	_ =	sdelay $0x2  }
0xb8: {  	s31 =	sshll.u32 s1, $0xD;
	s1 =	sshrl.u32 s1, $0x2  }
0xb9: {  	s3 =	sand.u32 $0x4000, s31;
	s1 =	sadd.s32 s1, s30  }
0xba: {  	s0 =	sor.u32 s3, s0;
	s1 =	sshll.u32 s1, $0x11  }
0xbb: {  	s0 =	sor.u32 s1, s0  }
0xbc: {  	s0 =	sadd.s32 $0x8F2B, s0  }
0xbd: {  	[sflag:s0] =	ssyncadd.remote.s32 $0x1  }
0xbe: {  	_ =	sfence.sel $0xFFFF  }
0xbf: {  	[dreg:$0x0] =	wrdreg $0xFFFFFFFF;
	(pc) =	sbr.abs _section_cstart, $3  }
0xc0: {  	[dreg:$0x1] =	wrdreg $0xFFFFFFFF  }
0xc1: {  	_ =	task.clear_ibuf [dreg:s7], $0x2FFFF;
	_ =	strace $0x9FFFFFFF  }
0xc2: {  	(tm) =	ssettm $0x7FFFFFFF  }
0xc3: {  	_ =	shalt  }
tec
execute0_lowered:
.L_overlay_start_1:
0x0: {  	(tag) =	ssettag $0x1  }
0x1: {  	s3 =	rddreg [dreg:$0x0]  }
0x2: {  	s0 =	srdreg.scid;
	s4 =	rddreg [dreg:$0x1]  }
0x3: {  	s1 =	simm.s32 $0x0;
	s8 =	stileid.u32;
	s0 =	sand.u32 $0x1, s0  }
0x4: {  	[smem:$0x7FF] =	sst s1;
	s2 =	sshll.u32 s8, $0x8;
	s12 =	sshll.u32 s8, $0x5  }
0x5: {  	s25 =	sshll.u32 s8, $0x4;
	s5 =	ssub.s32 $0x2, s0;
	s0 =	sshll.u32 s0, $0x4  }
0x6: {  	s7 =	sadd.s32 $0x100, s2;
	s14 =	sadd.s32 $0x200, s2;
	s15 =	sadd.s32 $0x300, s2  }
0x7: {  	s16 =	sadd.s32 $0x400, s2;
	s18 =	sadd.s32 $0x500, s2;
	s19 =	sadd.s32 $0x600, s2  }
0x8: {  	s21 =	sadd.s32 $0x700, s2;
	s23 =	sxor.u32 $0x800, s2;
	s26 =	sadd.s32 $0x900, s2  }
0x9: {  	s6 =	sshrl.u32 s5, $0x1;
	s7 =	sand.u32 $0xF00, s7;
	s9 =	sand.u32 $0xF00, s15  }
0xa: {  	s20 =	sand.u32 $0xF00, s19;
	[dreg:$0x11] =	wrdreg s23;
	s24 =	sshrl.u32 s23, $0x3  }
0xb: {  	s15 =	sadd.s32 $0xE00, s2;
	s6 =	ssub.s32 s5, s6;
	s5 =	sor.u32 s8, s0  }
0xc: {  	s0 =	sadd.s32 s3, s12;
	[dreg:$0x3] =	wrdreg s7;
	s13 =	sshrl.u32 s7, $0x3  }
0xd: {  	s7 =	sand.u32 $0xF00, s14;
	[dreg:$0x7] =	wrdreg s9;
	s17 =	sshrl.u32 s9, $0x3  }
0xe: {  	[dreg:$0xd] =	wrdreg s20;
	s22 =	sshrl.u32 s20, $0x3;
	s20 =	sand.u32 $0xF00, s26  }
0xf: {  	s9 =	sadd.s32 $0xB00, s2;
	s12 =	sadd.s32 $0xC00, s2;
	[dreg:$0x4] =	wrdreg s0  }
0x10: {  	s30 =	sand.u32 $0xF00, s15;
	s0 =	sadd.s32 s3, s13;
	[dreg:$0x6] =	wrdreg s7  }
0x11: {  	s7 =	sshrl.u32 s7, $0x3;
	s8 =	sshrl.u32 s20, $0x3;
	s23 =	sand.u32 $0xF00, s9  }
0x12: {  	s26 =	sand.u32 $0xF00, s12;
	s13 =	sadd.s32 $0xD00, s2;
	s19 =	sshll.u32 s5, $0x4  }
0x13: {  	[dreg:$0x5] =	wrdreg s0;
	s7 =	sadd.s32 s3, s7;
	s0 =	sand.u32 $0xF00, s16  }
0x14: {  	s11 =	sshrl.u32 s23, $0x3;
	s28 =	sand.u32 $0xF00, s13;
	[dreg:$0x8] =	wrdreg s7  }
0x15: {  	s14 =	sshrl.u32 s26, $0x3;
	s7 =	sadd.s32 s3, s17;
	[dreg:$0x9] =	wrdreg s0  }
0x16: {  	s0 =	sshrl.u32 s0, $0x3;
	s29 =	sadd.s32 s3, s14;
	s16 =	sshrl.u32 s28, $0x3  }
0x17: {  	s17 =	sshrl.u32 s30, $0x3;
	[dreg:$0xa] =	wrdreg s7;
	s0 =	sadd.s32 s3, s0  }
0x18: {  	s14 =	simm.s32 $0x0;
	s7 =	sand.u32 $0xF00, s18;
	[dreg:$0xb] =	wrdreg s0  }
0x19: {  	[dreg:$0xc] =	wrdreg s7;
	s7 =	sshrl.u32 s7, $0x3;
	s0 =	sand.u32 $0xF00, s21  }
0x1a: {  	s31 =	sadd.s32 s3, s16;
	s7 =	sadd.s32 s3, s7;
	[dreg:$0xf] =	wrdreg s0  }
0x1b: {  	s0 =	sshrl.u32 s0, $0x3;
	[dreg:$0xe] =	wrdreg s7;
	s7 =	sadd.s32 s3, s22  }
0x1c: {  	s18 =	sadd.s32 $0xF00, s2;
	s0 =	sadd.s32 s3, s0;
	[dreg:$0x10] =	wrdreg s7  }
0x1d: {  	[dreg:$0x12] =	wrdreg s0;
	s0 =	sadd.s32 s3, s24;
	s7 =	sand.u32 $0x70, s25  }
0x1e: {  	s25 =	sadd.s32 s3, s11;
	s11 =	simm.s32 $0x1100;
	[dreg:$0x13] =	wrdreg s0  }
0x1f: {  	s7 =	sadd.s32 s4, s7;
	s4 =	sadd.s32 $0xA00, s2;
	s0 =	sadd.s32 s3, s8  }
.Ltmp0:
0x20: {  	s8 =	sand.u32 $0x180, s19;
	s21 =	sand.u32 $0xF00, s4;
	(pc) =	sbr.rel .LBB2_1-.Ltmp0, $4  }
0x21: {  	vm0 =	vmmov $0x1;
	vm11 =	vcmask $0x320;
	vm14 =	vcmask $0x720;
	[dreg:$0x14] =	wrdreg s0;
	s0 =	sadd.s32 s3, s17;
	s4 =	sand.u32 $0xF00, s18  }
0x22: {  	vm13 =	vcmask $0xB20;
	vm6 =	vcmask $0xF20;
	v2 =	vimm.s32 $0x0;
	s8 =	sadd.s32 s8, s7;
	s10 =	sshrl.u32 s21, $0x3;
	s22 =	sshrl.u32 s4, $0x3  }
0x23: {  	vm7 =	vcmask $0x1320;
	v2 =	vsel vm0, $0xFFFFFFFF, v2;
	v0 =	vmov s5;
	_ =	strace $0x80000047;
	s24 =	sadd.s32 s3, s10;
	s5 =	sadd.s32 s3, s22  }
0x24: {  	vm4 =	vcmask $0x1720;
	vm12 =	vcmask $0x1B20;
	v1 =	vimm.f32 $-1.000000020e+30;
	[tilespmem:$0x1FFF0] =	vst v2;
	s10 =	smax.u32 s6, $0x1;
	s3 =	simm.s32 $0x1;
	s6 =	simm.s32 $0x2  }
.LBB2_12:
0x25: {  	(xrf2) =	vadd.scan.msk.f32 $0xffff, v2;
	_ =	sdelay $0x8  }
0x26: {  	s7 =	scvt.s32.f32 s7  }
0x27: {  	v2, _, _ =	vpop (xrf2)  }
0x28: {  	vm2 =	vcmask $0x704;
	v3 =	vmov s7;
	v2 =	vbroadcast v2, $0xF  }
0x29: {  	s14 =	sadd.s32 $0x1, s14;
	v3 =	vnsel vm2, $0x0, v3  }
0x2a: {  	p0 =	sne.s32 s14, s10;
	v2 =	vsel vm0, v2, v3  }
.Ltmp1:
0x2b: {  	s22 =	simm.s32 $0x1000;
	[tilespmem:$0x1000] =	vst v2;
	(pc) =	sbr.rel @!p0 .LBB2_13-.Ltmp1, $4  }
0x2c: {  	[hbm4b:s8+s1] =	stream.linear.scatter [tilespmem:s22], [sflag:$0x2], $0x80, $0x38;
	[tilespmem:$0x9280] =	vst v63  }
0x2d: {  	_ =	swait.ge [sflag:s6], $0x80  }
0x2e: {  	[sflag:s6] =	ssyncset.done $0x0  }
0x2f: {  	[sflag:s6] =	ssyncadd.s32 $0xFFFFFF80  }
.LBB2_1:
0x30: {  	s7 =	rddreg [dreg:$0x4]  }
0x31: {  	s18 =	rddreg [dreg:$0x3]  }
0x32: {  	s9 =	rddreg [dreg:$0x5]  }
0x33: {  	s19 =	rddreg [dreg:$0x6]  }
0x34: {  	s22 =	rddreg [dreg:$0x8]  }
0x35: {  	s12 =	rddreg [dreg:$0x7]  }
0x36: {  	s13 =	rddreg [dreg:$0xa]  }
0x37: {  	s15 =	rddreg [dreg:$0x9]  }
0x38: {  	s16 =	rddreg [dreg:$0xb]  }
0x39: {  	[tilespmem:s2], [sflag:$0x1] =	stream.linear.gather [hbm4b:s7+s1], $0x100, $0x38;
	[tilespmem:$0x9280] =	vst v63  }
0x3a: {  	s17 =	rddreg [dreg:$0xc]  }
0x3b: {  	[tilespmem:s18], [sflag:$0x1] =	stream.linear.gather [hbm4b:s9+s1], $0x100, $0x38;
	[tilespmem:$0x9280] =	vst v63  }
0x3c: {  	s18 =	rddreg [dreg:$0xe]  }
0x3d: {  	[tilespmem:s19], [sflag:$0x1] =	stream.linear.gather [hbm4b:s22+s1], $0x100, $0x38;
	[tilespmem:$0x9280] =	vst v63  }
0x3e: {  	s19 =	rddreg [dreg:$0xd]  }
0x3f: {  	[tilespmem:s12], [sflag:$0x1] =	stream.linear.gather [hbm4b:s13+s1], $0x100, $0x38;
	[tilespmem:$0x9280] =	vst v63  }
0x40: {  	s22 =	rddreg [dreg:$0x10]  }
0x41: {  	[tilespmem:s15], [sflag:$0x1] =	stream.linear.gather [hbm4b:s16+s1], $0x100, $0x38;
	[tilespmem:$0x9280] =	vst v63  }
0x42: {  	s12 =	rddreg [dreg:$0xf]  }
0x43: {  	[tilespmem:s17], [sflag:$0x1] =	stream.linear.gather [hbm4b:s18+s1], $0x100, $0x38;
	[tilespmem:$0x9280] =	vst v63  }
0x44: {  	s13 =	rddreg [dreg:$0x12]  }
0x45: {  	[tilespmem:s19], [sflag:$0x1] =	stream.linear.gather [hbm4b:s22+s1], $0x100, $0x38;
	[tilespmem:$0x9280] =	vst v63  }
0x46: {  	s15 =	rddreg [dreg:$0x11]  }
0x47: {  	[tilespmem:s12], [sflag:$0x1] =	stream.linear.gather [hbm4b:s13+s1], $0x100, $0x38;
	[tilespmem:$0x9280] =	vst v63  }
0x48: {  	s16 =	rddreg [dreg:$0x13]  }
0x49: {  	[tilespmem:s15], [sflag:$0x1] =	stream.linear.gather [hbm4b:s16+s1], $0x100, $0x38;
	[tilespmem:$0x9280] =	vst v63  }
0x4a: {  	s17 =	rddreg [dreg:$0x14]  }
0x4b: {  	[tilespmem:s20], [sflag:$0x1] =	stream.linear.gather [hbm4b:s17+s1], $0x100, $0x38;
	[tilespmem:$0x9280] =	vst v63  }
0x4c: {  	_ = 	snop  }
0x4d: {  	[tilespmem:s21], [sflag:$0x1] =	stream.linear.gather [hbm4b:s24+s1], $0x100, $0x38;
	[tilespmem:$0x9280] =	vst v63  }
0x4e: {  	_ = 	snop  }
0x4f: {  	[tilespmem:s23], [sflag:$0x1] =	stream.linear.gather [hbm4b:s25+s1], $0x100, $0x38;
	[tilespmem:$0x9280] =	vst v63  }
0x50: {  	_ = 	snop  }
0x51: {  	[tilespmem:s26], [sflag:$0x1] =	stream.linear.gather [hbm4b:s29+s1], $0x100, $0x38;
	[tilespmem:$0x9280] =	vst v63  }
0x52: {  	_ = 	snop  }
0x53: {  	[tilespmem:s28], [sflag:$0x1] =	stream.linear.gather [hbm4b:s31+s1], $0x100, $0x38;
	[tilespmem:$0x9280] =	vst v63  }
0x54: {  	_ = 	snop  }
0x55: {  	[tilespmem:s30], [sflag:$0x1] =	stream.linear.gather [hbm4b:s0+s1], $0x100, $0x38;
	[tilespmem:$0x9280] =	vst v63  }
0x56: {  	_ = 	snop  }
0x57: {  	[tilespmem:s4], [sflag:$0x1] =	stream.linear.gather [hbm4b:s5+s1], $0x100, $0x38;
	[tilespmem:$0x9280] =	vst v63  }
0x58: {  	_ =	swait.ge [sflag:s3], $0x100  }
0x59: {  	[sflag:s3] =	ssyncset.done $0x0  }
0x5a: {  	[sflag:s3] =	ssyncadd.s32 $0xFFFFFF00  }
0x5b: {  	_ =	swait.ge [sflag:s3], $0x100  }
0x5c: {  	[sflag:s3] =	ssyncset.done $0x0  }
0x5d: {  	[sflag:s3] =	ssyncadd.s32 $0xFFFFFF00  }
0x5e: {  	_ =	swait.ge [sflag:s3], $0x100  }
0x5f: {  	[sflag:s3] =	ssyncset.done $0x0  }
0x60: {  	[sflag:s3] =	ssyncadd.s32 $0xFFFFFF00  }
0x61: {  	_ =	swait.ge [sflag:s3], $0x100  }
0x62: {  	[sflag:s3] =	ssyncset.done $0x0  }
0x63: {  	[sflag:s3] =	ssyncadd.s32 $0xFFFFFF00  }
0x64: {  	_ =	swait.ge [sflag:s3], $0x100  }
0x65: {  	[sflag:s3] =	ssyncset.done $0x0  }
0x66: {  	[sflag:s3] =	ssyncadd.s32 $0xFFFFFF00  }
0x67: {  	_ =	swait.ge [sflag:s3], $0x100  }
0x68: {  	[sflag:s3] =	ssyncset.done $0x0  }
0x69: {  	[sflag:s3] =	ssyncadd.s32 $0xFFFFFF00  }
0x6a: {  	_ =	swait.ge [sflag:s3], $0x100  }
0x6b: {  	[sflag:s3] =	ssyncset.done $0x0  }
0x6c: {  	[sflag:s3] =	ssyncadd.s32 $0xFFFFFF00  }
0x6d: {  	_ =	swait.ge [sflag:s3], $0x100  }
0x6e: {  	[sflag:s3] =	ssyncset.done $0x0  }
0x6f: {  	[sflag:s3] =	ssyncadd.s32 $0xFFFFFF00  }
0x70: {  	_ =	swait.ge [sflag:s3], $0x100  }
0x71: {  	[sflag:s3] =	ssyncset.done $0x0  }
0x72: {  	[sflag:s3] =	ssyncadd.s32 $0xFFFFFF00  }
0x73: {  	_ =	swait.ge [sflag:s3], $0x100  }
0x74: {  	[sflag:s3] =	ssyncset.done $0x0  }
0x75: {  	[sflag:s3] =	ssyncadd.s32 $0xFFFFFF00  }
0x76: {  	_ =	swait.ge [sflag:s3], $0x100  }
0x77: {  	[sflag:s3] =	ssyncset.done $0x0  }
0x78: {  	[sflag:s3] =	ssyncadd.s32 $0xFFFFFF00  }
0x79: {  	_ =	swait.ge [sflag:s3], $0x100  }
0x7a: {  	[sflag:s3] =	ssyncset.done $0x0  }
0x7b: {  	[sflag:s3] =	ssyncadd.s32 $0xFFFFFF00  }
0x7c: {  	_ =	swait.ge [sflag:s3], $0x100  }
0x7d: {  	[sflag:s3] =	ssyncset.done $0x0  }
0x7e: {  	[sflag:s3] =	ssyncadd.s32 $0xFFFFFF00  }
0x7f: {  	_ =	swait.ge [sflag:s3], $0x100  }
0x80: {  	[sflag:s3] =	ssyncset.done $0x0  }
0x81: {  	[sflag:s3] =	ssyncadd.s32 $0xFFFFFF00  }
0x82: {  	_ =	swait.ge [sflag:s3], $0x100  }
0x83: {  	[sflag:s3] =	ssyncset.done $0x0  }
0x84: {  	[sflag:s3] =	ssyncadd.s32 $0xFFFFFF00  }
0x85: {  	_ =	swait.ge [sflag:s3], $0x100  }
0x86: {  	[sflag:s3] =	ssyncset.done $0x0  }
0x87: {  	v3 =	vimm.s32 $0x0;
	[sflag:s3] =	ssyncadd.s32 $0xFFFFFF00  }
0x88: {  	[tilespmem:$0x1080] =	vst v3  }
0x89: {  	s18 =	simm.s32 $0x0;
	[tilespmem:$0x1090] =	vst v3  }
0x8a: {  	v4 =	vld [tilespmem:s18+$0x0];
	_ =	sdelay $0x4  }
0x8b: {  	v2 =	vand.u32 $0xFF, v4  }
0x8c: {  	v5 =	vshrl.u32 v2, $0x3  }
0x8d: {  	vm9 =	veq.s32 v5, v0  }
0x8e: {  	(xrf1) =	vunique.msk.u32 vm9, v2;
	_ =	sdelay $0x7  }
0x8f: {  	v6 =	vand.u32 $0xFFFFFF00, v4;
	v4 =	vand.u32 $0x7, v4  }
0x90: {  	v8 =	vmul.u32 $0x1030, v4  }
0x91: {  	v7 =	vimm.s32 $0x0;
	vm5 =	vmmov vm4;
	vm2 =	veq.s32 v4, $0x6  }
0x92: {  	vm4 =	vmmov vm13;
	vm3 =	vmmov vm14;
	s19 =	simm.s32 $0x10;
	v7 =	vsel vm2, $0xFFFFFFFF, v7  }
0x93: {  	vm14 =	vmmov vm0;
	vm0 =	vmmov vm11;
	v2 =	vld [tilespmem:s19+$0x0];
	[tilespmem:$0x1FFE0] =	vst v7;
	v7 =	vperm.xlane v3, v4  }
0x94: {  	vm10 =	veq.s32 v4, $0x7;
	vm13 =	veq.s32 v4, $0x5;
	vm1 =	veq.s32 v4, $0x2  }
0x95: {  	vm15 =	veq.s32 v4, $0x4;
	vm8 =	veq.s32 v4, $0x0;
	v7 =	vadd.s32 v8, v7;
	_, v8, _ =	vpop (xrf1)  }
0x96: {  	vm2 =	vmmov vm12;
	vm9 =	vmmov vm9;
	v7 =	vadd.s32 v8, v7  }
0x97: {  	vm12 =	veq.s32 v4, $0x1;
	vm8 =	vmand vm8, vm9;
	v7 =	vadd.s32 $0xFFFFFFFF, v7  }
0x98: {  	v5 =	vand.u32 $0xFF, v2;
	v8 =	vmpcnt.ones.xlane vm8;
	vm8 =	vmand vm12, vm9  }
0x99: {  	vm12 =	veq.s32 v4, $0x3;
	v62 =	vmpcnt.ones.xlane vm8;
	vm8 =	vmand vm1, vm9  }
0x9a: {  	v4 =	vnsel vm14, $0x0, v8;
	v8 =	vmpcnt.ones.xlane vm8;
	vm8 =	vmand vm12, vm9  }
0x9b: {  	v9 =	vshrl.u32 v5, $0x3;
	v4 =	vsel vm0, v4, v62;
	v63 =	vmpcnt.ones.xlane vm8  }
0x9c: {  	vm11 =	veq.s32 v9, v0;
	v8 =	vsel vm3, v4, v8;
	[tilespmem:v7+s11+$0x0] =	vst.idx.msk vm9, v6  }
0x9d: {  	(xrf1) =	vunique.msk.u32 vm11, v5;
	v7 =	vsel vm4, v8, v63;
	v8 =	vld [tilespmem:$0x1FFE0];
	_ =	sdelay $0x3  }
0x9e: {  	vm8 =	vmand vm15, vm9  }
0x9f: {  	s22 =	simm.s32 $0x20;
	v5 =	vmpcnt.ones.xlane vm8;
	vm8 =	vmand vm13, vm9;
	vm1 =	vnez.u8 v8  }
0xa0: {  	s7 =	simm.s32 $0xC0;
	v4 =	vld [tilespmem:s22+$0x0];
	v6 =	vmpcnt.ones.xlane vm8;
	vm12 =	vmand vm1, vm9  }
.LBB2_2:
0xa1: {  	v5 =	vsel vm6, v7, v5;
	v7 =	vmpcnt.ones.xlane vm12;
	vm8 =	vmand vm10, vm9  }
0xa2: {  	v5 =	vsel vm7, v5, v6;
	v6 =	vmpcnt.ones.xlane vm8  }
0xa3: {  	v5 =	vsel vm5, v5, v7  }
0xa4: {  	v5 =	vsel vm2, v5, v6  }
0xa5: {  	vm9 =	vmmov vm11;
	v9 =	vand.u32 $0x7, v2;
	v7 =	vand.u32 $0xFF, v4  }
0xa6: {  	v8 =	vand.u32 $0xFFFFFF00, v2;
	vm12 =	veq.s32 v9, $0x6;
	v6 =	vshrl.u32 v7, $0x3  }
0xa7: {  	vm10 =	veq.s32 v9, $0x7;
	v3 =	vadd.s32 v3, v5;
	vm11 =	veq.s32 v6, v0  }
0xa8: {  	v10 =	vmul.u32 $0x1030, v9;
	v2 =	vmov v4;
	v4 =	vperm.xlane v3, v9;
	_, v5, _ =	vpop (xrf1);
	(xrf1) =	vunique.msk.u32 vm11, v7;
	v7 =	vld [tilespmem:$0x1FFF0]  }
0xa9: {  	vm13 =	veq.s32 v9, $0x5;
	vm8 =	veq.s32 v9, $0x2;
	vm14 =	veq.s32 v9, $0x4  }
0xaa: {  	vm15 =	veq.s32 v9, $0x0;
	vm1 =	veq.s32 v9, $0x1;
	v4 =	vadd.s32 v10, v4  }
0xab: {  	vm15 =	vmand vm15, vm9;
	vm1 =	vmand vm1, vm9;
	v4 =	vadd.s32 v5, v4  }
0xac: {  	p0 =	sne.s32 s7, $0x3FC0;
	v5 =	vmpcnt.ones.xlane vm1;
	v6 =	vadd.s32 $0xFFFFFFFF, v4;
	v4 =	vmpcnt.ones.xlane vm15  }
.Ltmp2:
0xad: {  	vm1 =	vmand vm8, vm9;
	vm8 =	veq.s32 v9, $0x3;
	vm15 =	vnez.u8 v7;
	(pc) =	sbr.rel @p0 .LBB2_2-.Ltmp2, $4  }
0xae: {  	v7 =	vmpcnt.ones.xlane vm1;
	vm1 =	vmand vm8, vm9;
	v4 =	vnsel vm15, $0x0, v4  }
0xaf: {  	v63 =	vmpcnt.ones.xlane vm1;
	vm1 =	vmand vm14, vm9;
	v5 =	vsel vm0, v4, v5  }
0xb0: {  	s9 =	sshra.s32 s7, $0x2;
	v7 =	vsel vm3, v5, v7;
	v5 =	vmpcnt.ones.xlane vm1;
	vm1 =	vmand vm13, vm9  }
0xb1: {  	s7 =	sadd.s32 $0x40, s7;
	vm12 =	vmand vm12, vm9;
	v4 =	vld [tilespmem:s9+$0x0];
	[tilespmem:v6+s11+$0x0] =	vst.idx.msk vm9, v8;
	v7 =	vsel vm4, v7, v63;
	v6 =	vmpcnt.ones.xlane vm1  }
0xb2: {  	vm13 =	vmmov vm4;
	v5 =	vsel vm6, v7, v5  }
0xb3: {  	v41 =	vmpcnt.ones.xlane vm12;
	vm1 =	vmand vm10, vm9;
	vm9 =	vmmov vm11  }
0xb4: {  	v8 =	vand.u32 $0x7, v2;
	vm4 =	vmmov vm5;
	v5 =	vsel vm7, v5, v6  }
0xb5: {  	v42 =	vmpcnt.ones.xlane vm1;
	vm1 =	veq.s32 v8, $0x0;
	vm8 =	veq.s32 v8, $0x1  }
0xb6: {  	vm10 =	veq.s32 v8, $0x6;
	v49 =	vmul.u32 $0x1030, v8;
	v5 =	vsel vm5, v5, v41  }
0xb7: {  	vm1 =	vmand vm1, vm9;
	vm10 =	vmand vm10, vm9;
	v5 =	vsel vm2, v5, v42  }
0xb8: {  	v12 =	vld [tilespmem:$0x1FFF0];
	v44 =	vmpcnt.ones.xlane vm1;
	vm1 =	vmand vm8, vm9;
	vm8 =	veq.s32 v8, $0x2  }
0xb9: {  	v50 =	vmpcnt.ones.xlane vm10;
	v43 =	vand.u32 $0xFF, v4;
	v9 =	vmpcnt.ones.xlane vm1  }
0xba: {  	vm1 =	veq.s32 v8, $0x3;
	v3 =	vadd.s32 v3, v5;
	vm8 =	vmand vm8, vm9  }
0xbb: {  	v53 =	vand.u32 $0x7, v4;
	v45 =	vmpcnt.ones.xlane vm8;
	vm8 =	veq.s32 v8, $0x4  }
0xbc: {  	vm1 =	vmand vm1, vm9;
	v11 =	vshrl.u32 v43, $0x3;
	vm8 =	vmand vm8, vm9  }
0xbd: {  	vm5 =	vnez.u8 v12;
	v46 =	vmpcnt.ones.xlane vm8;
	vm8 =	veq.s32 v11, v0  }
0xbe: {  	v48 =	vperm.xlane v3, v8;
	v10 =	vmpcnt.ones.xlane vm1;
	vm1 =	veq.s32 v8, $0x5;
	(xrf1) =	vunique.msk.u32 vm8, v43  }
0xbf: {  	v58 =	vmul.u32 $0x1030, v53;
	v6 =	vnsel vm5, $0x0, v44;
	vm1 =	vmand vm1, vm9  }
0xc0: {  	v6 =	vsel vm0, v6, v9;
	v47 =	vmpcnt.ones.xlane vm1;
	vm1 =	veq.s32 v8, $0x7  }
0xc1: {  	v5 =	vsel vm3, v6, v45;
	v6 =	vadd.s32 v49, v48;
	vm10 =	vmmov vm8  }
0xc2: {  	_, v52, _ =	vpop (xrf1);
	vm8 =	veq.s32 v53, $0x1;
	v5 =	vsel vm13, v5, v10;
	vm1 =	vmand vm1, vm9  }
0xc3: {  	v6 =	vadd.s32 v52, v6;
	vm8 =	vmand vm8, vm10;
	v5 =	vsel vm6, v5, v46  }
0xc4: {  	v51 =	vmpcnt.ones.xlane vm1;
	vm1 =	veq.s32 v53, $0x0;
	v55 =	vmpcnt.ones.xlane vm8  }
0xc5: {  	vm8 =	veq.s32 v53, $0x3;
	v6 =	vadd.s32 $0xFFFFFFFF, v6;
	v5 =	vsel vm7, v5, v47  }
0xc6: {  	vm1 =	vmand vm1, vm10;
	vm8 =	vmand vm8, vm10;
	v5 =	vsel vm4, v5, v50  }
0xc7: {  	v54 =	vmpcnt.ones.xlane vm1;
	vm1 =	veq.s32 v53, $0x2;
	v57 =	vmpcnt.ones.xlane vm8  }
0xc8: {  	vm8 =	veq.s32 v53, $0x5;
	v5 =	vsel vm2, v5, v51;
	vm1 =	vmand vm1, vm10  }
0xc9: {  	v3 =	vadd.s32 v3, v5;
	v56 =	vmpcnt.ones.xlane vm1;
	vm1 =	veq.s32 v53, $0x4  }
0xca: {  	v8 =	vnsel vm5, $0x0, v54;
	v5 =	vperm.xlane v3, v53;
	vm1 =	vmand vm1, vm10  }
0xcb: {  	v59 =	vsel vm0, v8, v55;
	v13 =	vmpcnt.ones.xlane vm1;
	vm1 =	vmand vm8, vm10  }
0xcc: {  	vm8 =	veq.s32 v53, $0x6;
	v7 =	vsel vm3, v59, v56;
	v5 =	vadd.s32 v58, v5;
	_, v60, _ =	vpop (xrf1)  }
0xcd: {  	v14 =	vmpcnt.ones.xlane vm1;
	vm1 =	veq.s32 v53, $0x7;
	v5 =	vadd.s32 v60, v5  }
0xce: {  	v7 =	vsel vm13, v7, v57;
	vm8 =	vmand vm8, vm10;
	v5 =	vadd.s32 $0xFFFFFFFF, v5  }
0xcf: {  	v61 =	vmpcnt.ones.xlane vm8;
	v7 =	vsel vm6, v7, v13;
	vm1 =	vmand vm1, vm10  }
.Ltmp3:
0xd0: {  	v62 =	vmpcnt.ones.xlane vm1;
	v7 =	vsel vm7, v7, v14;
	(pc) =	sbr.rel .LBB2_4-.Ltmp3, $4  }
0xd1: {  	v2 =	vand.u32 $0xFFFFFF00, v2;
	v7 =	vsel vm4, v7, v61  }
0xd2: {  	[tilespmem:v6+s11+$0x0] =	vst.idx.msk vm9, v2;
	v2 =	vand.u32 $0xFFFFFF00, v4;
	v63 =	vsel vm2, v7, v62  }
0xd3: {  	vm14 =	vmmov vm3;
	vm11 =	vmmov vm0;
	[tilespmem:v5+s11+$0x0] =	vst.idx.msk vm10, v2;
	v2 =	vadd.s32 v3, v63  }
0xd4: {  	s7 =	simm.s32 $0x0;
	s16 =	simm.s32 $0x1130;
	s9 =	simm.s32 $0x0;
	vm12 =	vmmov vm2;
	vm0 =	vmmov vm5;
	[tilespmem:$0x1080] =	vst v2;
	v2 =	vimm.f32 $0.0e+00  }
.LBB2_11:
0xd5: {  	s9 =	sadd.s32 $0x1, s9  }
0xd6: {  	p0 =	seq.s32 s9, $0x4  }
.Ltmp4:
0xd7: {  	_ = 	snop;
	(pc) =	sbr.rel @p0 .LBB2_12-.Ltmp4, $3  }
0xd8: {  	_ = 	snop  }
0xd9: {  	s12 =	smul.u32 s18, s19;
	_ =	sdelay $0x1  }
0xda: {  	s16 =	sadd.s32 $0x2060, s16;
	s7 =	sadd.s32 s7, s12  }
.LBB2_4:
0xdb: {  	s12 =	sshll.u32 s9, $0x1  }
0xdc: {  	s12 =	sand.u32 $0x3FFFFFFE, s12  }
0xdd: {  	v3 =	vld [tilespmem:s12+$0x1080];
	_ =	sdelay $0x4  }
0xde: {  	(v2sf) =	vpush v3, $0x0  }
0xdf: {  	(v2sf) =	vpush v3, $0x1;
	_ =	sdelay $0xd  }
0xe0: {  	s18 =	spop (v2sf)  }
0xe1: {  	s22 =	smul.u32 $0x8180, s9;
	s19 =	spop (v2sf)  }
0xe2: {  	p0 =	slt.s32 s19, $0x1  }
.Ltmp5:
0xe3: {  	s12 =	sshra.s32 s22, $0x2;
	(pc) =	sbr.rel @p0 .LBB2_11-.Ltmp5, $4  }
0xe4: {  	s13 =	sadd.s32 s18, s12  }
0xe5: {  	[tilespmem:s13+$0x1100] =	vst v1  }
0xe6: {  	[tilespmem:s13+$0x1110] =	vst v1  }
0xe7: {  	[tilespmem:s13+$0x1120] =	vst v1  }
0xe8: {  	s13 =	sadd.s32 $0xF, s18  }
0xe9: {  	s15 =	sshra.s32 s13, $0x1F;
	s22 =	sand.u32 $0xF, s13  }
0xea: {  	p0 =	slt.s32 s13, $0x1;
	s15 =	sshrl.u32 s15, $0x1C;
	p1 =	sne.s32 s22, $0x0  }
.Ltmp6:
0xeb: {  	s22 =	simm.s32 $0x1;
	p0 =	por !p0, !p1;
	(pc) =	sbr.rel .LBB2_6-.Ltmp6, $4  }
0xec: {  	s13 =	sadd.s32 s15, s13;
	s15 =	simm.s32 $0xFFFFFFFF;
	p0 =	por !p0, !p0  }
0xed: {  	v3 =	vld [tilespmem:s12+$0x1100];
	s13 =	sshra.s32 s13, $0x4;
	s15 =	simm.s32 @!p0 $0x0;
	s22 =	simm.s32 @!p0 $0x0  }
0xee: {  	s17 =	sadd.s32 $0x2130, s12;
	v4 =	vld [tilespmem:s12+$0x1110];
	s22 =	ssub.s32 s13, s22;
	s13 =	sadd.s32 s15, s13  }
0xef: {  	v5 =	vld [tilespmem:s12+$0x1120];
	v6 =	vmov s17;
	s12 =	sadd.s32 $0xFFFFFFFD, s13;
	s13 =	simm.s32 $0x0;
	p0 =	slt.s32 s22, $0x4  }
.LBB2_9:
0xf0: {  	v7 =	vmax.f32 v8, $0.0e+00  }
0xf1: {  	v2 =	vadd.f32 v7, v2  }
.LBB2_10:
0xf2: {  	s13 =	sadd.s32 $0x1, s13  }
0xf3: {  	p1 =	seq.s32 s13, s19  }
.Ltmp7:
0xf4: {  	_ = 	snop;
	(pc) =	sbr.rel @p1 .LBB2_11-.Ltmp7, $1  }
0xf5: {  	_ =	sdelay $0x3  }
.LBB2_6:
0xf6: {  	_ =	sdelay $0x3  }
0xf7: {  	v7 =	vld.idx.msk [tilespmem:v6+s13+$0x0 ss:$0x1], $0xffff;
	_ =	sdelay $0x4  }
0xf8: {  	(v2sf) =	vpush v7, $0x0;
	_ =	sdelay $0xe  }
0xf9: {  	s15 =	spop (v2sf)  }
0xfa: {  	s15 =	ssub.f32 $1.000000000e+00, s15;
	_ =	sdelay $0x1  }
0xfb: {  	v7 =	vadd.f32 s15, v3;
	_ =	sdelay $0x1  }
0xfc: {  	v8 =	vadd.f32 s15, v4;
	v7 =	vmax.f32 v7, $0.0e+00  }
0xfd: {  	v2 =	vadd.f32 v7, v2  }
.Ltmp8:
0xfe: {  	v7 =	vmax.f32 v8, $0.0e+00;
	v8 =	vadd.f32 s15, v5;
	(pc) =	sbr.rel @p0 .LBB2_10-.Ltmp8, $3  }
0xff: {  	v2 =	vadd.f32 v2, v7  }
0x100: {  	v7 =	vmax.f32 v8, $0.0e+00  }
0x101: {  	v2 =	vadd.f32 v2, v7;
	_ =	sdelay $0x1  }
0x102: {  	v8 =	vld [tilespmem:s16+$0x0]  }
0x103: {  	p1 =	sne.s32 s12, $0x1  }
.Ltmp9:
0x104: {  	_ = 	snop;
	(pc) =	sbr.rel @!p1 .LBB2_9-.Ltmp9, $4  }
0x105: {  	_ = 	snop  }
0x106: {  	v7 =	vmov s15  }
0x107: {  	v8 =	vadd.f32 v8, v7  }
0x108: {  	s15 =	sadd.s32 $0xFFFFFFFF, s12;
	s22 =	sadd.s32 $0x10, s16  }
.LBB2_8:
0x109: {  	v9 =	vld [tilespmem:s22+$0x0];
	p1 =	sne.s32 s15, $0x1;
	s15 =	sadd.s32 $0xFFFFFFFF, s15  }
.Ltmp10:
0x10a: {  	v8 =	vmax.f32 v8, $0.0e+00;
	(pc) =	sbr.rel @p1 .LBB2_8-.Ltmp10, $2  }
0x10b: {  	v2 =	vadd.f32 v8, v2;
	_ =	sdelay $0x2  }
0x10c: {  	s22 =	sadd.s32 $0x10, s22;
	v8 =	vadd.f32 v9, v7  }
.Ltmp11:
0x10d: {  	_ = 	snop;
	(pc) =	sbr.rel .LBB2_9-.Ltmp11, $1  }
0x10e: {  	_ =	sdelay $0x3  }
.LBB2_13:
0x10f: {  	_ =	sfence.sel $0x180000  }
0x110: {  	[bflag:$0x0] =	sbarrier.arrive $0xFFFF  }
0x111: {  	_ =	strace $0x90000047  }
0x112: {  	s0 =	stileid.u32;
	[bflag:$0x2] =	sbarrier.arrive $0xFFFF  }
0x113: {  	p0 =	sne.s32 s0, $0x0;
	s0 =	rddreg [dreg:$0x2]  }
0x114: {  	s0 =	sadd.s32 @!p0 $0x100000, s0  }
0x115: {  	[sflag:s0] =	ssyncadd.tile.s32 @!p0 $0x1;
	_ =	shalt  }
.Lfunc_end2:
_tile_overlayer_lowered:
.L_overlay_start_2:
0x116: {  	(tag) =	ssettag $0x2  }
0x117: {  	s0 =	rddreg [dreg:$0x0];
	s2 =	stileid.u32  }
0x118: {  	s1 =	rddreg [dreg:$0x1];
	p0 =	sne.s32 s2, $0x0  }
0x119: {  	s3 =	rddreg [dreg:$0x2];
	[bflag:$0x3] =	sbarrier.arrive $0xFFFF;
	s2 =	simm.s32 @!p0 $0x1C02  }
0x11a: {  	[timem:s3], [sflag:s2] =	dma.local @!p0 [hbm:s0], s1  }
0x11b: {  	s0 =	simm.s32 @!p0 $0x2  }
0x11c: {  	_ =	swait.ge @!p0 [sflag:s0], s1  }
0x11d: {  	s1 =	ssub.s32 @!p0 $0x0, s1;
	[sflag:s0] =	ssyncset.done @!p0 $0x0  }
0x11e: {  	[sflag:s0] =	ssyncadd.s32 @!p0 s1  }
0x11f: {  	[bflag:$0x3] =	sbarrier.arrive $0xFFFF  }
0x120: {  	_ =	shalt  }

</sc_bundles>
